<compile_context>
chip_gen: v7x
topology: tpu7x:2x2x1
jax: 0.10.2.dev20260603
libtpu: 0.0.44.dev20260713+nightly
codegen_flags: <defaults>
</compile_context>

<pallas_src>
import functools

import jax
import jax.numpy as jnp
from jax import lax
from jax.experimental import pallas as pl
from jax.experimental.pallas import tpu as pltpu
from jax.experimental.pallas import tpu_sc as plsc

N_NODES = 10000
D_FEAT = 128
HIDDEN = 64
NUM_CLASSES = 2

N_PAD = 10240
NW = 32
BATCH = 128
DEG_W = 16
ROW_BLK = 1000


def _cdiv(a, b):
    return (a + b - 1) // b



def _zero_rows(buf, n_rows, width):
    per_row = width // 16

    def z(i, carry):
        r = i // per_row
        c = (i % per_row) * 16
        buf[r, pl.ds(c, 16)] = jnp.zeros((16,), jnp.float32)
        return carry

    lax.fori_loop(0, n_rows * per_row, z, 0)


def _make_edge_pass(k, with_deg):
    mesh = plsc.VectorSubcoreMesh(core_axis_name="c", subcore_axis_name="s")
    rows_per_tile = N_PAD // 16

    out_type = [jax.ShapeDtypeStruct((2, N_PAD, HIDDEN), jnp.float32)]
    scratch = [
        pltpu.VMEM((k, BATCH), jnp.int32),
        pltpu.VMEM((k, BATCH), jnp.int32),
        pltpu.VMEM((BATCH, HIDDEN), jnp.float32),
        pltpu.VMEM((BATCH, HIDDEN), jnp.float32),
        pltpu.VMEM((16, HIDDEN), jnp.float32),
        pltpu.VMEM_SHARED((N_PAD, HIDDEN), jnp.float32),
        pltpu.SemaphoreType.DMA,
        pltpu.SemaphoreType.DMA,
        pltpu.SemaphoreType.DMA,
        pltpu.SemaphoreType.DMA,
    ]
    if with_deg:
        out_type.append(jax.ShapeDtypeStruct((2, N_PAD, DEG_W), jnp.float32))
        scratch += [
            pltpu.VMEM((BATCH, DEG_W), jnp.float32),
            pltpu.VMEM((16, DEG_W), jnp.float32),
            pltpu.VMEM_SHARED((N_PAD, DEG_W), jnp.float32),
        ]

    def body(table, src3, dst3, *refs):
        if with_deg:
            (out_acc, out_deg, srcv, dstv, rows0, rows1, zacc, acc_sh,
             g0, g1, s0, s1, ones_v, zdeg, deg_sh) = refs
        else:
            (out_acc, srcv, dstv, rows0, rows1, zacc, acc_sh,
             g0, g1, s0, s1) = refs
        rows = rows0
        c = lax.axis_index("c")
        s = lax.axis_index("s")
        wid = s * 2 + c
        base = s * rows_per_tile

        _zero_rows(zacc, 16, HIDDEN)
        if with_deg:
            _zero_rows(zdeg, 16, DEG_W)

            def ofill(i, carry):
                ones_v[i, pl.ds(0, 16)] = jnp.full((16,), 1.0, jnp.float32)
                return carry

            lax.fori_loop(0, BATCH, ofill, 0)

        def zc(i, carry):
            pltpu.sync_copy(zacc, acc_sh.at[pl.ds(base + i * 16, 16)])
            if with_deg:
                pltpu.sync_copy(zdeg, deg_sh.at[pl.ds(base + i * 16, 16)])
            return carry

        lax.fori_loop(0, rows_per_tile // 16, zc, 0)

        pltpu.sync_copy(src3.at[wid], srcv)
        pltpu.sync_copy(dst3.at[wid], dstv)
        plsc.subcore_barrier()

        pltpu.async_copy(table.at[srcv.at[0]], rows0, g0)
        pltpu.async_copy(table.at[srcv.at[1]], rows1, g1)

        def step(i, carry):
            j0 = 2 * i
            j1 = j0 + 1
            pltpu.make_async_copy(table.at[srcv.at[j0]], rows0, g0).wait()
            pltpu.sync_copy(rows0, acc_sh.at[dstv.at[j0]], add=True)
            if with_deg:
                pltpu.sync_copy(ones_v, deg_sh.at[dstv.at[j0]], add=True)

            @pl.when(j0 + 2 < k)
            def _():
                pltpu.async_copy(table.at[srcv.at[j0 + 2]], rows0, g0)

            pltpu.make_async_copy(table.at[srcv.at[j1]], rows1, g1).wait()
            pltpu.sync_copy(rows1, acc_sh.at[dstv.at[j1]], add=True)
            if with_deg:
                pltpu.sync_copy(ones_v, deg_sh.at[dstv.at[j1]], add=True)

            @pl.when(j1 + 2 < k)
            def _():
                pltpu.async_copy(table.at[srcv.at[j1 + 2]], rows1, g1)

            return carry

        lax.fori_loop(0, k // 2, step, 0)
        plsc.subcore_barrier()

        def out_i(i, carry):
            r0 = base + i * BATCH
            pltpu.sync_copy(acc_sh.at[pl.ds(r0, BATCH)], rows)
            pltpu.sync_copy(rows, out_acc.at[c, pl.ds(r0, BATCH)])
            if with_deg:
                pltpu.sync_copy(deg_sh.at[pl.ds(r0, BATCH)], ones_v)
                pltpu.sync_copy(ones_v, out_deg.at[c, pl.ds(r0, BATCH)])
            return carry

        lax.fori_loop(0, rows_per_tile // BATCH, out_i, 0)

    return pl.kernel(body, out_type=out_type, mesh=mesh,
                     scratch_types=scratch,
                     compiler_params=pltpu.CompilerParams(
                         use_tc_tiling_on_sc=False))



def _proj_body(x_ref, wl_ref, wr_ref, p_ref, r_ref):
    xv = x_ref[...]
    p_ref[...] = jnp.dot(xv, wl_ref[...], preferred_element_type=jnp.float32)
    r_ref[...] = jnp.dot(xv, wr_ref[...], preferred_element_type=jnp.float32)


def _mid_body(acc_ref, deg_ref, r1_ref, b1_ref, wl_ref, wr_ref, p_ref, r_ref):
    acc = acc_ref[0] + acc_ref[1]
    deg = deg_ref[0] + deg_ref[1]
    mean = acc / jnp.maximum(deg[:, :1], 1.0)
    h = jax.nn.sigmoid(mean + b1_ref[...] + r1_ref[...])
    p_ref[...] = jnp.dot(h, wl_ref[...], preferred_element_type=jnp.float32)
    r_ref[...] = jnp.dot(h, wr_ref[...], preferred_element_type=jnp.float32)


def _fin_body(acc_ref, deg_ref, r2_ref, b2_ref, wl1_ref, bl1_ref, wl2_ref,
              bl2_ref, out_ref):
    acc = acc_ref[0] + acc_ref[1]
    deg = deg_ref[0] + deg_ref[1]
    mean = acc / jnp.maximum(deg[:, :1], 1.0)
    h = jax.nn.sigmoid(mean + b2_ref[...] + r2_ref[...])
    t = jax.nn.sigmoid(
        jnp.dot(h, wl1_ref[...], preferred_element_type=jnp.float32)
        + bl1_ref[...])
    logits = (jnp.dot(t, wl2_ref[...], preferred_element_type=jnp.float32)
              + bl2_ref[...])
    m = jnp.max(logits, axis=1, keepdims=True)
    e = jnp.exp(logits - m)
    out_ref[...] = e / jnp.sum(e, axis=1, keepdims=True)


def _blk(shape, idx):
    return pl.BlockSpec(shape, idx)


_GRID = N_NODES // ROW_BLK


def _proj(x, wl, wr, d_in):
    return pl.pallas_call(
        _proj_body,
        grid=(_GRID,),
        in_specs=[
            _blk((ROW_BLK, d_in), lambda i: (i, 0)),
            _blk((d_in, HIDDEN), lambda i: (0, 0)),
            _blk((d_in, HIDDEN), lambda i: (0, 0)),
        ],
        out_specs=[
            _blk((ROW_BLK, HIDDEN), lambda i: (i, 0)),
            _blk((ROW_BLK, HIDDEN), lambda i: (i, 0)),
        ],
        out_shape=[jax.ShapeDtypeStruct((N_NODES, HIDDEN), jnp.float32)] * 2,
    )(x, wl, wr)


def _mid(acc, deg, r1, b1, wl, wr):
    return pl.pallas_call(
        _mid_body,
        grid=(_GRID,),
        in_specs=[
            _blk((2, ROW_BLK, HIDDEN), lambda i: (0, i, 0)),
            _blk((2, ROW_BLK, DEG_W), lambda i: (0, i, 0)),
            _blk((ROW_BLK, HIDDEN), lambda i: (i, 0)),
            _blk((1, HIDDEN), lambda i: (0, 0)),
            _blk((HIDDEN, HIDDEN), lambda i: (0, 0)),
            _blk((HIDDEN, HIDDEN), lambda i: (0, 0)),
        ],
        out_specs=[
            _blk((ROW_BLK, HIDDEN), lambda i: (i, 0)),
            _blk((ROW_BLK, HIDDEN), lambda i: (i, 0)),
        ],
        out_shape=[jax.ShapeDtypeStruct((N_NODES, HIDDEN), jnp.float32)] * 2,
    )(acc, deg, r1, b1, wl, wr)


def _fin(acc, deg, r2, b2, wl1, bl1, wl2, bl2):
    return pl.pallas_call(
        _fin_body,
        grid=(_GRID,),
        in_specs=[
            _blk((2, ROW_BLK, HIDDEN), lambda i: (0, i, 0)),
            _blk((2, ROW_BLK, DEG_W), lambda i: (0, i, 0)),
            _blk((ROW_BLK, HIDDEN), lambda i: (i, 0)),
            _blk((1, HIDDEN), lambda i: (0, 0)),
            _blk((HIDDEN, HIDDEN), lambda i: (0, 0)),
            _blk((1, HIDDEN), lambda i: (0, 0)),
            _blk((HIDDEN, NUM_CLASSES), lambda i: (0, 0)),
            _blk((1, NUM_CLASSES), lambda i: (0, 0)),
        ],
        out_specs=_blk((ROW_BLK, NUM_CLASSES), lambda i: (i, 0)),
        out_shape=jax.ShapeDtypeStruct((N_NODES, NUM_CLASSES), jnp.float32),
    )(acc, deg, r2, b2, wl1, bl1, wl2, bl2)



def kernel(x, edge_list, W1_l, b1, W1_r, W2_l, b2, W2_r,
           W_lin1, b_lin1, W_lin2, b_lin2):
    n_edges = edge_list.shape[1]
    k = _cdiv(n_edges, NW * BATCH)
    k += k % 2
    e_pad = NW * k * BATCH - n_edges

    src = edge_list[0].astype(jnp.int32)
    dst = edge_list[1].astype(jnp.int32)
    src3 = jnp.pad(src, (0, e_pad)).reshape(NW, k, BATCH)
    dst3 = jnp.pad(dst, (0, e_pad),
                   constant_values=N_NODES).reshape(NW, k, BATCH)

    edge_pass_deg = _make_edge_pass(k, with_deg=True)
    edge_pass = _make_edge_pass(k, with_deg=False)

    b1_2 = b1.reshape(1, HIDDEN)
    b2_2 = b2.reshape(1, HIDDEN)
    bl1_2 = b_lin1.reshape(1, HIDDEN)
    bl2_2 = b_lin2.reshape(1, NUM_CLASSES)

    p1, r1 = _proj(x, W1_l, W1_r, D_FEAT)
    acc1, deg = edge_pass_deg(p1, src3, dst3)
    p2, r2 = _mid(acc1, deg, r1, b1_2, W2_l, W2_r)

    (acc2,) = (edge_pass(p2, src3, dst3),)
    if isinstance(acc2, (list, tuple)):
        acc2 = acc2[0]
    return _fin(acc2, deg, r2, b2_2, W_lin1, bl1_2, W_lin2, bl2_2)

# --- scband reference (transcript-rebuilt; emitter-appended) ---
"""Pipeline reference for scband-gnn-90031104458804 (READ-ONLY COPY).

The authoritative reference and input builder live on the scoring server;
editing this copy changes nothing except your own understanding.
"""

import jax, jax.numpy as jnp
import numpy as np

N_NODES = 10000
N_EDGES = 320000
D_FEAT = 128
HIDDEN = 64
NUM_CLASSES = 2


def setup_inputs(seed: int = 0) -> dict:
    key = jax.random.key(seed)
    ks = jax.random.split(key, 12)
    x = jax.random.normal(ks[0], (N_NODES, D_FEAT), dtype=jnp.float32)
    edge_list = jax.random.randint(ks[1], (2, N_EDGES), 0, N_NODES, dtype=jnp.int64)
    s1 = 1.0 / np.sqrt(D_FEAT)
    s2 = 1.0 / np.sqrt(HIDDEN)
    return {
        "x": x,
        "edge_list": edge_list,
        "W1_l": jax.random.uniform(ks[2], (D_FEAT, HIDDEN), minval=-s1, maxval=s1, dtype=jnp.float32),
        "b1": jax.random.uniform(ks[3], (HIDDEN,), minval=-s1, maxval=s1, dtype=jnp.float32),
        "W1_r": jax.random.uniform(ks[4], (D_FEAT, HIDDEN), minval=-s1, maxval=s1, dtype=jnp.float32),
        "W2_l": jax.random.uniform(ks[5], (HIDDEN, HIDDEN), minval=-s2, maxval=s2, dtype=jnp.float32),
        "b2": jax.random.uniform(ks[6], (HIDDEN,), minval=-s2, maxval=s2, dtype=jnp.float32),
        "W2_r": jax.random.uniform(ks[7], (HIDDEN, HIDDEN), minval=-s2, maxval=s2, dtype=jnp.float32),
        "W_lin1": jax.random.uniform(ks[8], (HIDDEN, HIDDEN), minval=-s2, maxval=s2, dtype=jnp.float32),
        "b_lin1": jax.random.uniform(ks[9], (HIDDEN,), minval=-s2, maxval=s2, dtype=jnp.float32),
        "W_lin2": jax.random.uniform(ks[10], (HIDDEN, NUM_CLASSES), minval=-s2, maxval=s2, dtype=jnp.float32),
        "b_lin2": jax.random.uniform(ks[11], (NUM_CLASSES,), minval=-s2, maxval=s2, dtype=jnp.float32),
    }


def _sage_conv(x, edge_list, W_l, b, W_r):
    # PyG SAGEConv with aggr='mean': out = lin_l(mean_j x_j) + lin_r(x_i)
    src = edge_list[0]
    dst = edge_list[1]
    n = x.shape[0]
    msgs = jnp.take(x, src, axis=0)
    agg = jax.ops.segment_sum(msgs, dst, num_segments=n)
    deg = jax.ops.segment_sum(jnp.ones((src.shape[0],), dtype=x.dtype), dst, num_segments=n)
    mean = agg / jnp.clip(deg, 1.0, None)[:, None]
    return mean @ W_l + b + x @ W_r


def reference(x, edge_list, W1_l, b1, W1_r, W2_l, b2, W2_r, W_lin1, b_lin1, W_lin2, b_lin2):
    h = _sage_conv(x, edge_list, W1_l, b1, W1_r)
    h = jax.nn.sigmoid(h)
    h = _sage_conv(h, edge_list, W2_l, b2, W2_r)
    h = jax.nn.sigmoid(h)
    # dropout p=0.5 is identity in eval mode
    h = h @ W_lin1 + b_lin1
    h = jax.nn.sigmoid(h)
    h = h @ W_lin2 + b_lin2
    return jax.nn.softmax(h, axis=1)

if __name__ == "__main__":
    import jax
    _d = setup_inputs()
    print(jax.jit(kernel)(*tuple(_d.values())))

</pallas_src>

<mosaic_0001>
#map = affine_map<(d0, d1) -> (0, 0)>
#map1 = affine_map<(d0, d1) -> (0, 0, 0)>
module attributes {stable_mosaic.version = 14 : i64} {
  func.func @body(%arg0: i32, %arg1: i32, %arg2: memref<10000x64xf32, #tpu.memory_space<hbm>>, %arg3: memref<32x80x128xi32, #tpu.memory_space<hbm>>, %arg4: memref<32x80x128xi32, #tpu.memory_space<hbm>>, %arg5: memref<2x10240x64xf32, #tpu.memory_space<hbm>>, %arg6: memref<2x10240x16xf32, #tpu.memory_space<hbm>>, %arg7: memref<80x128xi32, #tpu.memory_space<vmem>>, %arg8: memref<80x128xi32, #tpu.memory_space<vmem>>, %arg9: memref<128x64xf32, #tpu.memory_space<vmem>>, %arg10: memref<128x64xf32, #tpu.memory_space<vmem>>, %arg11: memref<16x64xf32, #tpu.memory_space<vmem>>, %arg12: memref<10240x64xf32, #tpu.memory_space<vmem_shared>>, %arg13: memref<!tpu.dma_semaphore, #tpu.memory_space<semaphore_mem>>, %arg14: memref<!tpu.dma_semaphore, #tpu.memory_space<semaphore_mem>>, %arg15: memref<!tpu.dma_semaphore, #tpu.memory_space<semaphore_mem>>, %arg16: memref<!tpu.dma_semaphore, #tpu.memory_space<semaphore_mem>>, %arg17: memref<128x16xf32, #tpu.memory_space<vmem>>, %arg18: memref<16x16xf32, #tpu.memory_space<vmem>>, %arg19: memref<10240x16xf32, #tpu.memory_space<vmem_shared>>) attributes {dimension_semantics = [#tpu.dimension_semantics<core_parallel>, #tpu.dimension_semantics<subcore_parallel>], iteration_bounds = array<i64: 2, 16>, scalar_prefetch = 0 : i64, scratch_operands = 13 : i64, tpu.core_type = #tpu.core_type<sc_vector_subcore>, window_params = [{transform_indices = #map}, {transform_indices = #map1}, {transform_indices = #map1}, {transform_indices = #map1}, {transform_indices = #map1}]} {
    %mul3A = arith.constant 2 : i32
    %mul3A_0 = arith.muli %arg1, %mul3A : i32
    %add3A = arith.addi %mul3A_0, %arg0 : i32
    %mul3A_1 = arith.constant 640 : i32
    %mul3A_2 = arith.muli %arg1, %mul3A_1 : i32
    %scan3A = arith.constant 0 : i32
    %scan3A_3 = arith.constant 0 : i32
    %scan3A_4 = arith.constant 64 : i32
    %scan3A_5 = arith.addi %scan3A_3, %scan3A_4 : i32
    %scan3A_6 = arith.constant 1 : i32
    scf.for %scan3A_52 = %scan3A_3 to %scan3A_5 step %scan3A_6  : i32 {
      %jit3A = arith.constant 4 : i32
      %div3A = arith.divsi %scan3A_52, %jit3A : i32
      %sign3A = arith.constant 0 : i32
      %sign3A_53 = arith.cmpi sgt, %scan3A_52, %sign3A : i32
      %sign3A_54 = arith.extui %sign3A_53 : i1 to i32
      %sign3A_55 = arith.constant 0 : i32
      %sign3A_56 = arith.cmpi slt, %scan3A_52, %sign3A_55 : i32
      %sign3A_57 = arith.extui %sign3A_56 : i1 to i32
      %sign3A_58 = arith.subi %sign3A_54, %sign3A_57 : i32
      %sign3A_59 = arith.constant 0 : i32
      %sign3A_60 = arith.cmpi sgt, %jit3A, %sign3A_59 : i32
      %sign3A_61 = arith.extui %sign3A_60 : i1 to i32
      %sign3A_62 = arith.constant 0 : i32
      %sign3A_63 = arith.cmpi slt, %jit3A, %sign3A_62 : i32
      %sign3A_64 = arith.extui %sign3A_63 : i1 to i32
      %sign3A_65 = arith.subi %sign3A_61, %sign3A_64 : i32
      %ne3A = arith.cmpi ne, %sign3A_58, %sign3A_65 : i32
      %rem3A = arith.remsi %scan3A_52, %jit3A : i32
      %ne3A_66 = arith.constant 0 : i32
      %ne3A_67 = arith.cmpi ne, %rem3A, %ne3A_66 : i32
      %and3A = arith.andi %ne3A, %ne3A_67 : i1
      %sub3A = arith.constant 1 : i32
      %sub3A_68 = arith.subi %div3A, %sub3A : i32
      %select_n3A = arith.select %and3A, %sub3A_68, %div3A : i32
      %jit3A_69 = arith.constant 4 : i32
      %eq3A = arith.constant 0 : i32
      %eq3A_70 = arith.cmpi eq, %jit3A_69, %eq3A : i32
      %jit3A_71 = arith.constant 1 : i32
      %select_n3A_72 = arith.select %eq3A_70, %jit3A_71, %jit3A_69 : i32
      %rem3A_73 = arith.remsi %scan3A_52, %select_n3A_72 : i32
      %ne3A_74 = arith.constant 0 : i32
      %ne3A_75 = arith.cmpi ne, %rem3A_73, %ne3A_74 : i32
      %lt3A = arith.constant 0 : i32
      %lt3A_76 = arith.cmpi slt, %rem3A_73, %lt3A : i32
      %lt3A_77 = arith.constant 0 : i32
      %lt3A_78 = arith.cmpi slt, %select_n3A_72, %lt3A_77 : i32
      %ne3A_79 = arith.xori %lt3A_76, %lt3A_78 : i1
      %and3A_80 = arith.andi %ne3A_79, %ne3A_75 : i1
      %add3A_81 = arith.addi %rem3A_73, %select_n3A_72 : i32
      %select_n3A_82 = arith.select %and3A_80, %add3A_81, %rem3A_73 : i32
      %mul3A_83 = arith.constant 16 : i32
      %mul3A_84 = arith.muli %select_n3A_82, %mul3A_83 : i32
      %broadcast_in_dim3A = arith.constant 0.000000e+00 : f32
      %broadcast_in_dim3A_85 = vector.broadcast %broadcast_in_dim3A : f32 to vector<16xf32>
      %swap3A = arith.index_cast %select_n3A : i32 to index
      %swap3A_86 = arith.index_cast %mul3A_84 : i32 to index
      %swap3A_87 = tpu.vector_load %arg11[%swap3A, %swap3A_86] {strides = array<i32>} : memref<16x64xf32, #tpu.memory_space<vmem>>, vector<1x16xf32>,
      %swap3A_88 = vector.shape_cast %swap3A_87 : vector<1x16xf32> to vector<16xf32>
      %swap3A_89 = vector.shape_cast %broadcast_in_dim3A_85 : vector<16xf32> to vector<1x16xf32>
      tpu.vector_store %arg11[%swap3A, %swap3A_86], %swap3A_89 {strides = array<i32>} : memref<16x64xf32, #tpu.memory_space<vmem>>, vector<1x16xf32>,
    }
    %scan3A_7 = arith.constant 64 : i32
    %scan3A_8 = arith.constant 0 : i32
    %scan3A_9 = arith.constant 0 : i32
    %scan3A_10 = arith.constant 16 : i32
    %scan3A_11 = arith.addi %scan3A_9, %scan3A_10 : i32
    %scan3A_12 = arith.constant 1 : i32
    scf.for %scan3A_52 = %scan3A_9 to %scan3A_11 step %scan3A_12  : i32 {
      %jit3A = arith.constant 1 : i32
      %div3A = arith.divsi %scan3A_52, %jit3A : i32
      %sign3A = arith.constant 0 : i32
      %sign3A_53 = arith.cmpi sgt, %scan3A_52, %sign3A : i32
      %sign3A_54 = arith.extui %sign3A_53 : i1 to i32
      %sign3A_55 = arith.constant 0 : i32
      %sign3A_56 = arith.cmpi slt, %scan3A_52, %sign3A_55 : i32
      %sign3A_57 = arith.extui %sign3A_56 : i1 to i32
      %sign3A_58 = arith.subi %sign3A_54, %sign3A_57 : i32
      %sign3A_59 = arith.constant 0 : i32
      %sign3A_60 = arith.cmpi sgt, %jit3A, %sign3A_59 : i32
      %sign3A_61 = arith.extui %sign3A_60 : i1 to i32
      %sign3A_62 = arith.constant 0 : i32
      %sign3A_63 = arith.cmpi slt, %jit3A, %sign3A_62 : i32
      %sign3A_64 = arith.extui %sign3A_63 : i1 to i32
      %sign3A_65 = arith.subi %sign3A_61, %sign3A_64 : i32
      %ne3A = arith.cmpi ne, %sign3A_58, %sign3A_65 : i32
      %rem3A = arith.remsi %scan3A_52, %jit3A : i32
      %ne3A_66 = arith.constant 0 : i32
      %ne3A_67 = arith.cmpi ne, %rem3A, %ne3A_66 : i32
      %and3A = arith.andi %ne3A, %ne3A_67 : i1
      %sub3A = arith.constant 1 : i32
      %sub3A_68 = arith.subi %div3A, %sub3A : i32
      %select_n3A = arith.select %and3A, %sub3A_68, %div3A : i32
      %jit3A_69 = arith.constant 1 : i32
      %eq3A = arith.constant 0 : i32
      %eq3A_70 = arith.cmpi eq, %jit3A_69, %eq3A : i32
      %jit3A_71 = arith.constant 1 : i32
      %select_n3A_72 = arith.select %eq3A_70, %jit3A_71, %jit3A_69 : i32
      %rem3A_73 = arith.remsi %scan3A_52, %select_n3A_72 : i32
      %ne3A_74 = arith.constant 0 : i32
      %ne3A_75 = arith.cmpi ne, %rem3A_73, %ne3A_74 : i32
      %lt3A = arith.constant 0 : i32
      %lt3A_76 = arith.cmpi slt, %rem3A_73, %lt3A : i32
      %lt3A_77 = arith.constant 0 : i32
      %lt3A_78 = arith.cmpi slt, %select_n3A_72, %lt3A_77 : i32
      %ne3A_79 = arith.xori %lt3A_76, %lt3A_78 : i1
      %and3A_80 = arith.andi %ne3A_79, %ne3A_75 : i1
      %add3A_81 = arith.addi %rem3A_73, %select_n3A_72 : i32
      %select_n3A_82 = arith.select %and3A_80, %add3A_81, %rem3A_73 : i32
      %mul3A_83 = arith.constant 16 : i32
      %mul3A_84 = arith.muli %select_n3A_82, %mul3A_83 : i32
      %broadcast_in_dim3A = arith.constant 0.000000e+00 : f32
      %broadcast_in_dim3A_85 = vector.broadcast %broadcast_in_dim3A : f32 to vector<16xf32>
      %swap3A = arith.index_cast %select_n3A : i32 to index
      %swap3A_86 = arith.index_cast %mul3A_84 : i32 to index
      %swap3A_87 = tpu.vector_load %arg18[%swap3A, %swap3A_86] {strides = array<i32>} : memref<16x16xf32, #tpu.memory_space<vmem>>, vector<1x16xf32>,
      %swap3A_88 = vector.shape_cast %swap3A_87 : vector<1x16xf32> to vector<16xf32>
      %swap3A_89 = vector.shape_cast %broadcast_in_dim3A_85 : vector<16xf32> to vector<1x16xf32>
      tpu.vector_store %arg18[%swap3A, %swap3A_86], %swap3A_89 {strides = array<i32>} : memref<16x16xf32, #tpu.memory_space<vmem>>, vector<1x16xf32>,
    }
    %scan3A_13 = arith.constant 16 : i32
    %scan3A_14 = arith.constant 0 : i32
    %scan3A_15 = arith.constant 0 : i32
    %scan3A_16 = arith.constant 128 : i32
    %scan3A_17 = arith.addi %scan3A_15, %scan3A_16 : i32
    %scan3A_18 = arith.constant 1 : i32
    scf.for %scan3A_52 = %scan3A_15 to %scan3A_17 step %scan3A_18  : i32 {
      %broadcast_in_dim3A = arith.constant 1.000000e+00 : f32
      %broadcast_in_dim3A_53 = vector.broadcast %broadcast_in_dim3A : f32 to vector<16xf32>
      %swap3A = arith.index_cast %scan3A_52 : i32 to index
      %swap3A_54 = arith.constant 0 : index
      %swap3A_55 = tpu.vector_load %arg17[%swap3A, %swap3A_54] {strides = array<i32>} : memref<128x16xf32, #tpu.memory_space<vmem>>, vector<1x16xf32>,
      %swap3A_56 = vector.shape_cast %swap3A_55 : vector<1x16xf32> to vector<16xf32>
      %swap3A_57 = vector.shape_cast %broadcast_in_dim3A_53 : vector<16xf32> to vector<1x16xf32>
      tpu.vector_store %arg17[%swap3A, %swap3A_54], %swap3A_57 {strides = array<i32>} : memref<128x16xf32, #tpu.memory_space<vmem>>, vector<1x16xf32>,
    }
    %scan3A_19 = arith.constant 128 : i32
    %scan3A_20 = arith.constant 0 : i32
    %scan3A_21 = arith.constant 0 : i32
    %scan3A_22 = arith.constant 40 : i32
    %scan3A_23 = arith.addi %scan3A_21, %scan3A_22 : i32
    %scan3A_24 = arith.constant 1 : i32
    scf.for %scan3A_52 = %scan3A_21 to %scan3A_23 step %scan3A_24  : i32 {
      %mul3A_53 = arith.constant 16 : i32
      %mul3A_54 = arith.muli %scan3A_52, %mul3A_53 : i32
      %add3A_55 = arith.addi %mul3A_2, %mul3A_54 : i32
      "tpu.region"() ({
        %run_scoped3A = tpu.sem_alloc : memref<!tpu.dma_semaphore, #tpu.memory_space<semaphore_mem>>
        %dma_start3A_59 = arith.constant 0 : i32
        %dma_start3A_60 = tpu.memref_slice %arg12[%add3A_55, %dma_start3A_59] : memref<10240x64xf32, #tpu.memory_space<vmem_shared>> -> memref<16x64xf32, #tpu.memory_space<vmem_shared>>
        %dma_start3A_61 = arith.constant 0 : i32
        %dma_start3A_62 = tpu.memref_slice %arg12[%add3A_55, %dma_start3A_61] : memref<10240x64xf32, #tpu.memory_space<vmem_shared>> -> memref<16x64xf32, #tpu.memory_space<vmem_shared>>
        tpu.enqueue_dma source(%arg11 : memref<16x64xf32, #tpu.memory_space<vmem>>) target(%dma_start3A_62 : memref<16x64xf32, #tpu.memory_space<vmem_shared>>) target_semaphore(%run_scoped3A : memref<!tpu.dma_semaphore, #tpu.memory_space<semaphore_mem>>)
        %dma_wait3A = arith.constant 0 : i32
        %dma_wait3A_63 = tpu.memref_slice %arg12[%add3A_55, %dma_wait3A] : memref<10240x64xf32, #tpu.memory_space<vmem_shared>> -> memref<16x64xf32, #tpu.memory_space<vmem_shared>>
        %dma_wait3A_64 = arith.constant 0 : i32
        %dma_wait3A_65 = tpu.memref_slice %arg12[%add3A_55, %dma_wait3A_64] : memref<10240x64xf32, #tpu.memory_space<vmem_shared>> -> memref<16x64xf32, #tpu.memory_space<vmem_shared>>
        tpu.wait_dma2 semaphore(%run_scoped3A : memref<!tpu.dma_semaphore, #tpu.memory_space<semaphore_mem>>) src(%arg11 : memref<16x64xf32, #tpu.memory_space<vmem>>) dst(%dma_wait3A_65 : memref<16x64xf32, #tpu.memory_space<vmem_shared>>)
        tpu.yield
      }) : () -> ()
      %mul3A_56 = arith.constant 16 : i32
      %mul3A_57 = arith.muli %scan3A_52, %mul3A_56 : i32
      %add3A_58 = arith.addi %mul3A_2, %mul3A_57 : i32
      "tpu.region"() ({
        %run_scoped3A = tpu.sem_alloc : memref<!tpu.dma_semaphore, #tpu.memory_space<semaphore_mem>>
        %dma_start3A_59 = arith.constant 0 : i32
        %dma_start3A_60 = tpu.memref_slice %arg19[%add3A_58, %dma_start3A_59] : memref<10240x16xf32, #tpu.memory_space<vmem_shared>> -> memref<16x16xf32, #tpu.memory_space<vmem_shared>>
        %dma_start3A_61 = arith.constant 0 : i32
        %dma_start3A_62 = tpu.memref_slice %arg19[%add3A_58, %dma_start3A_61] : memref<10240x16xf32, #tpu.memory_space<vmem_shared>> -> memref<16x16xf32, #tpu.memory_space<vmem_shared>>
        tpu.enqueue_dma source(%arg18 : memref<16x16xf32, #tpu.memory_space<vmem>>) target(%dma_start3A_62 : memref<16x16xf32, #tpu.memory_space<vmem_shared>>) target_semaphore(%run_scoped3A : memref<!tpu.dma_semaphore, #tpu.memory_space<semaphore_mem>>)
        %dma_wait3A = arith.constant 0 : i32
        %dma_wait3A_63 = tpu.memref_slice %arg19[%add3A_58, %dma_wait3A] : memref<10240x16xf32, #tpu.memory_space<vmem_shared>> -> memref<16x16xf32, #tpu.memory_space<vmem_shared>>
        %dma_wait3A_64 = arith.constant 0 : i32
        %dma_wait3A_65 = tpu.memref_slice %arg19[%add3A_58, %dma_wait3A_64] : memref<10240x16xf32, #tpu.memory_space<vmem_shared>> -> memref<16x16xf32, #tpu.memory_space<vmem_shared>>
        tpu.wait_dma2 semaphore(%run_scoped3A : memref<!tpu.dma_semaphore, #tpu.memory_space<semaphore_mem>>) src(%arg18 : memref<16x16xf32, #tpu.memory_space<vmem>>) dst(%dma_wait3A_65 : memref<16x16xf32, #tpu.memory_space<vmem_shared>>)
        tpu.yield
      }) : () -> ()
    }
    %scan3A_25 = arith.constant 40 : i32
    "tpu.region"() ({
      %run_scoped3A = tpu.sem_alloc : memref<!tpu.dma_semaphore, #tpu.memory_space<semaphore_mem>>
      %dma_start3A_52 = arith.constant 0 : i32
      %dma_start3A_53 = arith.constant 0 : i32
      %dma_start3A_54 = tpu.memref_slice %arg3[%add3A, %dma_start3A_52, %dma_start3A_53] : memref<32x80x128xi32, #tpu.memory_space<hbm>> -> memref<1x80x128xi32, #tpu.memory_space<hbm>>
      %dma_start3A_55 = tpu.memref_squeeze %dma_start3A_54 : memref<1x80x128xi32, #tpu.memory_space<hbm>> -> memref<80x128xi32, #tpu.memory_space<hbm>>
      %dma_start3A_56 = arith.constant 0 : i32
      %dma_start3A_57 = arith.constant 0 : i32
      %dma_start3A_58 = tpu.memref_slice %arg3[%add3A, %dma_start3A_56, %dma_start3A_57] : memref<32x80x128xi32, #tpu.memory_space<hbm>> -> memref<1x80x128xi32, #tpu.memory_space<hbm>>
      %dma_start3A_59 = tpu.memref_squeeze %dma_start3A_58 : memref<1x80x128xi32, #tpu.memory_space<hbm>> -> memref<80x128xi32, #tpu.memory_space<hbm>>
      tpu.enqueue_dma source(%dma_start3A_59 : memref<80x128xi32, #tpu.memory_space<hbm>>) target(%arg7 : memref<80x128xi32, #tpu.memory_space<vmem>>) target_semaphore(%run_scoped3A : memref<!tpu.dma_semaphore, #tpu.memory_space<semaphore_mem>>)
      %dma_wait3A = arith.constant 0 : i32
      %dma_wait3A_60 = arith.constant 0 : i32
      %dma_wait3A_61 = tpu.memref_slice %arg3[%add3A, %dma_wait3A, %dma_wait3A_60] : memref<32x80x128xi32, #tpu.memory_space<hbm>> -> memref<1x80x128xi32, #tpu.memory_space<hbm>>
      %dma_wait3A_62 = tpu.memref_squeeze %dma_wait3A_61 : memref<1x80x128xi32, #tpu.memory_space<hbm>> -> memref<80x128xi32, #tpu.memory_space<hbm>>
      %dma_wait3A_63 = arith.constant 0 : i32
      %dma_wait3A_64 = arith.constant 0 : i32
      %dma_wait3A_65 = tpu.memref_slice %arg3[%add3A, %dma_wait3A_63, %dma_wait3A_64] : memref<32x80x128xi32, #tpu.memory_space<hbm>> -> memref<1x80x128xi32, #tpu.memory_space<hbm>>
      %dma_wait3A_66 = tpu.memref_squeeze %dma_wait3A_65 : memref<1x80x128xi32, #tpu.memory_space<hbm>> -> memref<80x128xi32, #tpu.memory_space<hbm>>
      tpu.wait_dma2 semaphore(%run_scoped3A : memref<!tpu.dma_semaphore, #tpu.memory_space<semaphore_mem>>) src(%dma_wait3A_66 : memref<80x128xi32, #tpu.memory_space<hbm>>) dst(%arg7 : memref<80x128xi32, #tpu.memory_space<vmem>>)
      tpu.yield
    }) : () -> ()
    "tpu.region"() ({
      %run_scoped3A = tpu.sem_alloc : memref<!tpu.dma_semaphore, #tpu.memory_space<semaphore_mem>>
      %dma_start3A_52 = arith.constant 0 : i32
      %dma_start3A_53 = arith.constant 0 : i32
      %dma_start3A_54 = tpu.memref_slice %arg4[%add3A, %dma_start3A_52, %dma_start3A_53] : memref<32x80x128xi32, #tpu.memory_space<hbm>> -> memref<1x80x128xi32, #tpu.memory_space<hbm>>
      %dma_start3A_55 = tpu.memref_squeeze %dma_start3A_54 : memref<1x80x128xi32, #tpu.memory_space<hbm>> -> memref<80x128xi32, #tpu.memory_space<hbm>>
      %dma_start3A_56 = arith.constant 0 : i32
      %dma_start3A_57 = arith.constant 0 : i32
      %dma_start3A_58 = tpu.memref_slice %arg4[%add3A, %dma_start3A_56, %dma_start3A_57] : memref<32x80x128xi32, #tpu.memory_space<hbm>> -> memref<1x80x128xi32, #tpu.memory_space<hbm>>
      %dma_start3A_59 = tpu.memref_squeeze %dma_start3A_58 : memref<1x80x128xi32, #tpu.memory_space<hbm>> -> memref<80x128xi32, #tpu.memory_space<hbm>>
      tpu.enqueue_dma source(%dma_start3A_59 : memref<80x128xi32, #tpu.memory_space<hbm>>) target(%arg8 : memref<80x128xi32, #tpu.memory_space<vmem>>) target_semaphore(%run_scoped3A : memref<!tpu.dma_semaphore, #tpu.memory_space<semaphore_mem>>)
      %dma_wait3A = arith.constant 0 : i32
      %dma_wait3A_60 = arith.constant 0 : i32
      %dma_wait3A_61 = tpu.memref_slice %arg4[%add3A, %dma_wait3A, %dma_wait3A_60] : memref<32x80x128xi32, #tpu.memory_space<hbm>> -> memref<1x80x128xi32, #tpu.memory_space<hbm>>
      %dma_wait3A_62 = tpu.memref_squeeze %dma_wait3A_61 : memref<1x80x128xi32, #tpu.memory_space<hbm>> -> memref<80x128xi32, #tpu.memory_space<hbm>>
      %dma_wait3A_63 = arith.constant 0 : i32
      %dma_wait3A_64 = arith.constant 0 : i32
      %dma_wait3A_65 = tpu.memref_slice %arg4[%add3A, %dma_wait3A_63, %dma_wait3A_64] : memref<32x80x128xi32, #tpu.memory_space<hbm>> -> memref<1x80x128xi32, #tpu.memory_space<hbm>>
      %dma_wait3A_66 = tpu.memref_squeeze %dma_wait3A_65 : memref<1x80x128xi32, #tpu.memory_space<hbm>> -> memref<80x128xi32, #tpu.memory_space<hbm>>
      tpu.wait_dma2 semaphore(%run_scoped3A : memref<!tpu.dma_semaphore, #tpu.memory_space<semaphore_mem>>) src(%dma_wait3A_66 : memref<80x128xi32, #tpu.memory_space<hbm>>) dst(%arg8 : memref<80x128xi32, #tpu.memory_space<vmem>>)
      tpu.yield
    }) : () -> ()
    %barrier3A = arith.constant 0 : index
    tpu.barrier barrier_id(%barrier3A)
    %dma_start3A = arith.constant 0 : i32
    %dma_start3A_26 = arith.constant 0 : i32
    %dma_start3A_27 = tpu.memref_slice %arg7[%dma_start3A, %dma_start3A_26] : memref<80x128xi32, #tpu.memory_space<vmem>> -> memref<1x128xi32, #tpu.memory_space<vmem>>
    %dma_start3A_28 = tpu.memref_squeeze %dma_start3A_27 : memref<1x128xi32, #tpu.memory_space<vmem>> -> memref<128xi32, #tpu.memory_space<vmem>>
    %dma_start3A_29 = arith.constant 0 : i32
    %dma_start3A_30 = arith.constant 0 : i32
    %dma_start3A_31 = tpu.memref_slice %arg2[%dma_start3A_29, %dma_start3A_30] : memref<10000x64xf32, #tpu.memory_space<hbm>> -> memref<10000x64xf32, #tpu.memory_space<hbm>>
    tpu.enqueue_indirect_dma source(%dma_start3A_31 : memref<10000x64xf32, #tpu.memory_space<hbm>>) target(%arg9 : memref<128x64xf32, #tpu.memory_space<vmem>>) offsets(%dma_start3A_28 : memref<128xi32, #tpu.memory_space<vmem>>) semaphore(%arg13 : memref<!tpu.dma_semaphore, #tpu.memory_space<semaphore_mem>>)
    %dma_start3A_32 = arith.constant 1 : i32
    %dma_start3A_33 = arith.constant 0 : i32
    %dma_start3A_34 = tpu.memref_slice %arg7[%dma_start3A_32, %dma_start3A_33] : memref<80x128xi32, #tpu.memory_space<vmem>> -> memref<1x128xi32, #tpu.memory_space<vmem>>
    %dma_start3A_35 = tpu.memref_squeeze %dma_start3A_34 : memref<1x128xi32, #tpu.memory_space<vmem>> -> memref<128xi32, #tpu.memory_space<vmem>>
    %dma_start3A_36 = arith.constant 0 : i32
    %dma_start3A_37 = arith.constant 0 : i32
    %dma_start3A_38 = tpu.memref_slice %arg2[%dma_start3A_36, %dma_start3A_37] : memref<10000x64xf32, #tpu.memory_space<hbm>> -> memref<10000x64xf32, #tpu.memory_space<hbm>>
    tpu.enqueue_indirect_dma source(%dma_start3A_38 : memref<10000x64xf32, #tpu.memory_space<hbm>>) target(%arg10 : memref<128x64xf32, #tpu.memory_space<vmem>>) offsets(%dma_start3A_35 : memref<128xi32, #tpu.memory_space<vmem>>) semaphore(%arg14 : memref<!tpu.dma_semaphore, #tpu.memory_space<semaphore_mem>>)
    %scan3A_39 = arith.constant 0 : i32
    %scan3A_40 = arith.constant 0 : i32
    %scan3A_41 = arith.constant 40 : i32
    %scan3A_42 = arith.addi %scan3A_40, %scan3A_41 : i32
    %scan3A_43 = arith.constant 1 : i32
    scf.for %scan3A_52 = %scan3A_40 to %scan3A_42 step %scan3A_43  : i32 {
      %mul3A_53 = arith.constant 2 : i32
      %mul3A_54 = arith.muli %mul3A_53, %scan3A_52 : i32
      %add3A_55 = arith.constant 1 : i32
      %add3A_56 = arith.addi %mul3A_54, %add3A_55 : i32
      %dma_wait3A = arith.constant 0 : i32
      %dma_wait3A_57 = tpu.memref_slice %arg7[%mul3A_54, %dma_wait3A] : memref<80x128xi32, #tpu.memory_space<vmem>> -> memref<1x128xi32, #tpu.memory_space<vmem>>
      %dma_wait3A_58 = tpu.memref_squeeze %dma_wait3A_57 : memref<1x128xi32, #tpu.memory_space<vmem>> -> memref<128xi32, #tpu.memory_space<vmem>>
      %dma_wait3A_59 = arith.constant 0 : i32
      %dma_wait3A_60 = arith.constant 0 : i32
      %dma_wait3A_61 = tpu.memref_slice %arg2[%dma_wait3A_59, %dma_wait3A_60] : memref<10000x64xf32, #tpu.memory_space<hbm>> -> memref<10000x64xf32, #tpu.memory_space<hbm>>
      tpu.wait_indirect_dma semaphore(%arg13 : memref<!tpu.dma_semaphore, #tpu.memory_space<semaphore_mem>>) src(%dma_wait3A_61 : memref<10000x64xf32, #tpu.memory_space<hbm>>) dst(%arg9 : memref<128x64xf32, #tpu.memory_space<vmem>>)
      "tpu.region"() ({
        %run_scoped3A = tpu.sem_alloc : memref<!tpu.dma_semaphore, #tpu.memory_space<semaphore_mem>>
        %dma_start3A_79 = arith.constant 0 : i32
        %dma_start3A_80 = tpu.memref_slice %arg8[%mul3A_54, %dma_start3A_79] : memref<80x128xi32, #tpu.memory_space<vmem>> -> memref<1x128xi32, #tpu.memory_space<vmem>>
        %dma_start3A_81 = tpu.memref_squeeze %dma_start3A_80 : memref<1x128xi32, #tpu.memory_space<vmem>> -> memref<128xi32, #tpu.memory_space<vmem>>
        %dma_start3A_82 = arith.constant 0 : i32
        %dma_start3A_83 = arith.constant 0 : i32
        %dma_start3A_84 = tpu.memref_slice %arg12[%dma_start3A_82, %dma_start3A_83] : memref<10240x64xf32, #tpu.memory_space<vmem_shared>> -> memref<10240x64xf32, #tpu.memory_space<vmem_shared>>
        tpu.enqueue_indirect_dma source(%arg9 : memref<128x64xf32, #tpu.memory_space<vmem>>) target(%dma_start3A_84 : memref<10240x64xf32, #tpu.memory_space<vmem_shared>>) offsets(%dma_start3A_81 : memref<128xi32, #tpu.memory_space<vmem>>) semaphore(%run_scoped3A : memref<!tpu.dma_semaphore, #tpu.memory_space<semaphore_mem>>) {add = true}
        %dma_wait3A_85 = arith.constant 0 : i32
        %dma_wait3A_86 = tpu.memref_slice %arg8[%mul3A_54, %dma_wait3A_85] : memref<80x128xi32, #tpu.memory_space<vmem>> -> memref<1x128xi32, #tpu.memory_space<vmem>>
        %dma_wait3A_87 = tpu.memref_squeeze %dma_wait3A_86 : memref<1x128xi32, #tpu.memory_space<vmem>> -> memref<128xi32, #tpu.memory_space<vmem>>
        %dma_wait3A_88 = arith.constant 0 : i32
        %dma_wait3A_89 = arith.constant 0 : i32
        %dma_wait3A_90 = tpu.memref_slice %arg12[%dma_wait3A_88, %dma_wait3A_89] : memref<10240x64xf32, #tpu.memory_space<vmem_shared>> -> memref<10240x64xf32, #tpu.memory_space<vmem_shared>>
        tpu.wait_indirect_dma semaphore(%run_scoped3A : memref<!tpu.dma_semaphore, #tpu.memory_space<semaphore_mem>>) src(%arg9 : memref<128x64xf32, #tpu.memory_space<vmem>>) dst(%dma_wait3A_90 : memref<10240x64xf32, #tpu.memory_space<vmem_shared>>)
        tpu.yield
      }) : () -> ()
      "tpu.region"() ({
        %run_scoped3A = tpu.sem_alloc : memref<!tpu.dma_semaphore, #tpu.memory_space<semaphore_mem>>
        %dma_start3A_79 = arith.constant 0 : i32
        %dma_start3A_80 = tpu.memref_slice %arg8[%mul3A_54, %dma_start3A_79] : memref<80x128xi32, #tpu.memory_space<vmem>> -> memref<1x128xi32, #tpu.memory_space<vmem>>
        %dma_start3A_81 = tpu.memref_squeeze %dma_start3A_80 : memref<1x128xi32, #tpu.memory_space<vmem>> -> memref<128xi32, #tpu.memory_space<vmem>>
        %dma_start3A_82 = arith.constant 0 : i32
        %dma_start3A_83 = arith.constant 0 : i32
        %dma_start3A_84 = tpu.memref_slice %arg19[%dma_start3A_82, %dma_start3A_83] : memref<10240x16xf32, #tpu.memory_space<vmem_shared>> -> memref<10240x16xf32, #tpu.memory_space<vmem_shared>>
        tpu.enqueue_indirect_dma source(%arg17 : memref<128x16xf32, #tpu.memory_space<vmem>>) target(%dma_start3A_84 : memref<10240x16xf32, #tpu.memory_space<vmem_shared>>) offsets(%dma_start3A_81 : memref<128xi32, #tpu.memory_space<vmem>>) semaphore(%run_scoped3A : memref<!tpu.dma_semaphore, #tpu.memory_space<semaphore_mem>>) {add = true}
        %dma_wait3A_85 = arith.constant 0 : i32
        %dma_wait3A_86 = tpu.memref_slice %arg8[%mul3A_54, %dma_wait3A_85] : memref<80x128xi32, #tpu.memory_space<vmem>> -> memref<1x128xi32, #tpu.memory_space<vmem>>
        %dma_wait3A_87 = tpu.memref_squeeze %dma_wait3A_86 : memref<1x128xi32, #tpu.memory_space<vmem>> -> memref<128xi32, #tpu.memory_space<vmem>>
        %dma_wait3A_88 = arith.constant 0 : i32
        %dma_wait3A_89 = arith.constant 0 : i32
        %dma_wait3A_90 = tpu.memref_slice %arg19[%dma_wait3A_88, %dma_wait3A_89] : memref<10240x16xf32, #tpu.memory_space<vmem_shared>> -> memref<10240x16xf32, #tpu.memory_space<vmem_shared>>
        tpu.wait_indirect_dma semaphore(%run_scoped3A : memref<!tpu.dma_semaphore, #tpu.memory_space<semaphore_mem>>) src(%arg17 : memref<128x16xf32, #tpu.memory_space<vmem>>) dst(%dma_wait3A_90 : memref<10240x16xf32, #tpu.memory_space<vmem_shared>>)
        tpu.yield
      }) : () -> ()
      %add3A_62 = arith.constant 2 : i32
      %add3A_63 = arith.addi %mul3A_54, %add3A_62 : i32
      %lt3A = arith.constant 80 : i32
      %lt3A_64 = arith.cmpi slt, %add3A_63, %lt3A : i32
      %convert_element_type3A = arith.extui %lt3A_64 : i1 to i32
      %cond3A = arith.constant 0 : i32
      %cond3A_65 = arith.cmpi ne, %convert_element_type3A, %cond3A : i32
      scf.if %cond3A_65 {
        %add3A_79 = arith.constant 2 : i32
        %add3A_80 = arith.addi %mul3A_54, %add3A_79 : i32
        %dma_start3A_81 = arith.constant 0 : i32
        %dma_start3A_82 = tpu.memref_slice %arg7[%add3A_80, %dma_start3A_81] : memref<80x128xi32, #tpu.memory_space<vmem>> -> memref<1x128xi32, #tpu.memory_space<vmem>>
        %dma_start3A_83 = tpu.memref_squeeze %dma_start3A_82 : memref<1x128xi32, #tpu.memory_space<vmem>> -> memref<128xi32, #tpu.memory_space<vmem>>
        %dma_start3A_84 = arith.constant 0 : i32
        %dma_start3A_85 = arith.constant 0 : i32
        %dma_start3A_86 = tpu.memref_slice %arg2[%dma_start3A_84, %dma_start3A_85] : memref<10000x64xf32, #tpu.memory_space<hbm>> -> memref<10000x64xf32, #tpu.memory_space<hbm>>
        tpu.enqueue_indirect_dma source(%dma_start3A_86 : memref<10000x64xf32, #tpu.memory_space<hbm>>) target(%arg9 : memref<128x64xf32, #tpu.memory_space<vmem>>) offsets(%dma_start3A_83 : memref<128xi32, #tpu.memory_space<vmem>>) semaphore(%arg13 : memref<!tpu.dma_semaphore, #tpu.memory_space<semaphore_mem>>)
      } else {
      }
      %dma_wait3A_66 = arith.constant 0 : i32
      %dma_wait3A_67 = tpu.memref_slice %arg7[%add3A_56, %dma_wait3A_66] : memref<80x128xi32, #tpu.memory_space<vmem>> -> memref<1x128xi32, #tpu.memory_space<vmem>>
      %dma_wait3A_68 = tpu.memref_squeeze %dma_wait3A_67 : memref<1x128xi32, #tpu.memory_space<vmem>> -> memref<128xi32, #tpu.memory_space<vmem>>
      %dma_wait3A_69 = arith.constant 0 : i32
      %dma_wait3A_70 = arith.constant 0 : i32
      %dma_wait3A_71 = tpu.memref_slice %arg2[%dma_wait3A_69, %dma_wait3A_70] : memref<10000x64xf32, #tpu.memory_space<hbm>> -> memref<10000x64xf32, #tpu.memory_space<hbm>>
      tpu.wait_indirect_dma semaphore(%arg14 : memref<!tpu.dma_semaphore, #tpu.memory_space<semaphore_mem>>) src(%dma_wait3A_71 : memref<10000x64xf32, #tpu.memory_space<hbm>>) dst(%arg10 : memref<128x64xf32, #tpu.memory_space<vmem>>)
      "tpu.region"() ({
        %run_scoped3A = tpu.sem_alloc : memref<!tpu.dma_semaphore, #tpu.memory_space<semaphore_mem>>
        %dma_start3A_79 = arith.constant 0 : i32
        %dma_start3A_80 = tpu.memref_slice %arg8[%add3A_56, %dma_start3A_79] : memref<80x128xi32, #tpu.memory_space<vmem>> -> memref<1x128xi32, #tpu.memory_space<vmem>>
        %dma_start3A_81 = tpu.memref_squeeze %dma_start3A_80 : memref<1x128xi32, #tpu.memory_space<vmem>> -> memref<128xi32, #tpu.memory_space<vmem>>
        %dma_start3A_82 = arith.constant 0 : i32
        %dma_start3A_83 = arith.constant 0 : i32
        %dma_start3A_84 = tpu.memref_slice %arg12[%dma_start3A_82, %dma_start3A_83] : memref<10240x64xf32, #tpu.memory_space<vmem_shared>> -> memref<10240x64xf32, #tpu.memory_space<vmem_shared>>
        tpu.enqueue_indirect_dma source(%arg10 : memref<128x64xf32, #tpu.memory_space<vmem>>) target(%dma_start3A_84 : memref<10240x64xf32, #tpu.memory_space<vmem_shared>>) offsets(%dma_start3A_81 : memref<128xi32, #tpu.memory_space<vmem>>) semaphore(%run_scoped3A : memref<!tpu.dma_semaphore, #tpu.memory_space<semaphore_mem>>) {add = true}
        %dma_wait3A_85 = arith.constant 0 : i32
        %dma_wait3A_86 = tpu.memref_slice %arg8[%add3A_56, %dma_wait3A_85] : memref<80x128xi32, #tpu.memory_space<vmem>> -> memref<1x128xi32, #tpu.memory_space<vmem>>
        %dma_wait3A_87 = tpu.memref_squeeze %dma_wait3A_86 : memref<1x128xi32, #tpu.memory_space<vmem>> -> memref<128xi32, #tpu.memory_space<vmem>>
        %dma_wait3A_88 = arith.constant 0 : i32
        %dma_wait3A_89 = arith.constant 0 : i32
        %dma_wait3A_90 = tpu.memref_slice %arg12[%dma_wait3A_88, %dma_wait3A_89] : memref<10240x64xf32, #tpu.memory_space<vmem_shared>> -> memref<10240x64xf32, #tpu.memory_space<vmem_shared>>
        tpu.wait_indirect_dma semaphore(%run_scoped3A : memref<!tpu.dma_semaphore, #tpu.memory_space<semaphore_mem>>) src(%arg10 : memref<128x64xf32, #tpu.memory_space<vmem>>) dst(%dma_wait3A_90 : memref<10240x64xf32, #tpu.memory_space<vmem_shared>>)
        tpu.yield
      }) : () -> ()
      "tpu.region"() ({
        %run_scoped3A = tpu.sem_alloc : memref<!tpu.dma_semaphore, #tpu.memory_space<semaphore_mem>>
        %dma_start3A_79 = arith.constant 0 : i32
        %dma_start3A_80 = tpu.memref_slice %arg8[%add3A_56, %dma_start3A_79] : memref<80x128xi32, #tpu.memory_space<vmem>> -> memref<1x128xi32, #tpu.memory_space<vmem>>
        %dma_start3A_81 = tpu.memref_squeeze %dma_start3A_80 : memref<1x128xi32, #tpu.memory_space<vmem>> -> memref<128xi32, #tpu.memory_space<vmem>>
        %dma_start3A_82 = arith.constant 0 : i32
        %dma_start3A_83 = arith.constant 0 : i32
        %dma_start3A_84 = tpu.memref_slice %arg19[%dma_start3A_82, %dma_start3A_83] : memref<10240x16xf32, #tpu.memory_space<vmem_shared>> -> memref<10240x16xf32, #tpu.memory_space<vmem_shared>>
        tpu.enqueue_indirect_dma source(%arg17 : memref<128x16xf32, #tpu.memory_space<vmem>>) target(%dma_start3A_84 : memref<10240x16xf32, #tpu.memory_space<vmem_shared>>) offsets(%dma_start3A_81 : memref<128xi32, #tpu.memory_space<vmem>>) semaphore(%run_scoped3A : memref<!tpu.dma_semaphore, #tpu.memory_space<semaphore_mem>>) {add = true}
        %dma_wait3A_85 = arith.constant 0 : i32
        %dma_wait3A_86 = tpu.memref_slice %arg8[%add3A_56, %dma_wait3A_85] : memref<80x128xi32, #tpu.memory_space<vmem>> -> memref<1x128xi32, #tpu.memory_space<vmem>>
        %dma_wait3A_87 = tpu.memref_squeeze %dma_wait3A_86 : memref<1x128xi32, #tpu.memory_space<vmem>> -> memref<128xi32, #tpu.memory_space<vmem>>
        %dma_wait3A_88 = arith.constant 0 : i32
        %dma_wait3A_89 = arith.constant 0 : i32
        %dma_wait3A_90 = tpu.memref_slice %arg19[%dma_wait3A_88, %dma_wait3A_89] : memref<10240x16xf32, #tpu.memory_space<vmem_shared>> -> memref<10240x16xf32, #tpu.memory_space<vmem_shared>>
        tpu.wait_indirect_dma semaphore(%run_scoped3A : memref<!tpu.dma_semaphore, #tpu.memory_space<semaphore_mem>>) src(%arg17 : memref<128x16xf32, #tpu.memory_space<vmem>>) dst(%dma_wait3A_90 : memref<10240x16xf32, #tpu.memory_space<vmem_shared>>)
        tpu.yield
      }) : () -> ()
      %add3A_72 = arith.constant 2 : i32
      %add3A_73 = arith.addi %add3A_56, %add3A_72 : i32
      %lt3A_74 = arith.constant 80 : i32
      %lt3A_75 = arith.cmpi slt, %add3A_73, %lt3A_74 : i32
      %convert_element_type3A_76 = arith.extui %lt3A_75 : i1 to i32
      %cond3A_77 = arith.constant 0 : i32
      %cond3A_78 = arith.cmpi ne, %convert_element_type3A_76, %cond3A_77 : i32
      scf.if %cond3A_78 {
        %add3A_79 = arith.constant 2 : i32
        %add3A_80 = arith.addi %add3A_56, %add3A_79 : i32
        %dma_start3A_81 = arith.constant 0 : i32
        %dma_start3A_82 = tpu.memref_slice %arg7[%add3A_80, %dma_start3A_81] : memref<80x128xi32, #tpu.memory_space<vmem>> -> memref<1x128xi32, #tpu.memory_space<vmem>>
        %dma_start3A_83 = tpu.memref_squeeze %dma_start3A_82 : memref<1x128xi32, #tpu.memory_space<vmem>> -> memref<128xi32, #tpu.memory_space<vmem>>
        %dma_start3A_84 = arith.constant 0 : i32
        %dma_start3A_85 = arith.constant 0 : i32
        %dma_start3A_86 = tpu.memref_slice %arg2[%dma_start3A_84, %dma_start3A_85] : memref<10000x64xf32, #tpu.memory_space<hbm>> -> memref<10000x64xf32, #tpu.memory_space<hbm>>
        tpu.enqueue_indirect_dma source(%dma_start3A_86 : memref<10000x64xf32, #tpu.memory_space<hbm>>) target(%arg10 : memref<128x64xf32, #tpu.memory_space<vmem>>) offsets(%dma_start3A_83 : memref<128xi32, #tpu.memory_space<vmem>>) semaphore(%arg14 : memref<!tpu.dma_semaphore, #tpu.memory_space<semaphore_mem>>)
      } else {
      }
    }
    %scan3A_44 = arith.constant 40 : i32
    %barrier3A_45 = arith.constant 0 : index
    tpu.barrier barrier_id(%barrier3A_45)
    %scan3A_46 = arith.constant 0 : i32
    %scan3A_47 = arith.constant 0 : i32
    %scan3A_48 = arith.constant 5 : i32
    %scan3A_49 = arith.addi %scan3A_47, %scan3A_48 : i32
    %scan3A_50 = arith.constant 1 : i32
    scf.for %scan3A_52 = %scan3A_47 to %scan3A_49 step %scan3A_50  : i32 {
      %mul3A_53 = arith.constant 128 : i32
      %mul3A_54 = arith.muli %scan3A_52, %mul3A_53 : i32
      %add3A_55 = arith.addi %mul3A_2, %mul3A_54 : i32
      "tpu.region"() ({
        %run_scoped3A = tpu.sem_alloc : memref<!tpu.dma_semaphore, #tpu.memory_space<semaphore_mem>>
        %dma_start3A_56 = arith.constant 0 : i32
        %dma_start3A_57 = tpu.memref_slice %arg12[%add3A_55, %dma_start3A_56] : memref<10240x64xf32, #tpu.memory_space<vmem_shared>> -> memref<128x64xf32, #tpu.memory_space<vmem_shared>>
        %dma_start3A_58 = arith.constant 0 : i32
        %dma_start3A_59 = tpu.memref_slice %arg12[%add3A_55, %dma_start3A_58] : memref<10240x64xf32, #tpu.memory_space<vmem_shared>> -> memref<128x64xf32, #tpu.memory_space<vmem_shared>>
        tpu.enqueue_dma source(%dma_start3A_59 : memref<128x64xf32, #tpu.memory_space<vmem_shared>>) target(%arg9 : memref<128x64xf32, #tpu.memory_space<vmem>>) target_semaphore(%run_scoped3A : memref<!tpu.dma_semaphore, #tpu.memory_space<semaphore_mem>>)
        %dma_wait3A = arith.constant 0 : i32
        %dma_wait3A_60 = tpu.memref_slice %arg12[%add3A_55, %dma_wait3A] : memref<10240x64xf32, #tpu.memory_space<vmem_shared>> -> memref<128x64xf32, #tpu.memory_space<vmem_shared>>
        %dma_wait3A_61 = arith.constant 0 : i32
        %dma_wait3A_62 = tpu.memref_slice %arg12[%add3A_55, %dma_wait3A_61] : memref<10240x64xf32, #tpu.memory_space<vmem_shared>> -> memref<128x64xf32, #tpu.memory_space<vmem_shared>>
        tpu.wait_dma2 semaphore(%run_scoped3A : memref<!tpu.dma_semaphore, #tpu.memory_space<semaphore_mem>>) src(%dma_wait3A_62 : memref<128x64xf32, #tpu.memory_space<vmem_shared>>) dst(%arg9 : memref<128x64xf32, #tpu.memory_space<vmem>>)
        tpu.yield
      }) : () -> ()
      "tpu.region"() ({
        %run_scoped3A = tpu.sem_alloc : memref<!tpu.dma_semaphore, #tpu.memory_space<semaphore_mem>>
        %dma_start3A_56 = arith.constant 0 : i32
        %dma_start3A_57 = tpu.memref_slice %arg5[%arg0, %add3A_55, %dma_start3A_56] : memref<2x10240x64xf32, #tpu.memory_space<hbm>> -> memref<1x128x64xf32, #tpu.memory_space<hbm>>
        %dma_start3A_58 = tpu.memref_squeeze %dma_start3A_57 : memref<1x128x64xf32, #tpu.memory_space<hbm>> -> memref<128x64xf32, #tpu.memory_space<hbm>>
        %dma_start3A_59 = arith.constant 0 : i32
        %dma_start3A_60 = tpu.memref_slice %arg5[%arg0, %add3A_55, %dma_start3A_59] : memref<2x10240x64xf32, #tpu.memory_space<hbm>> -> memref<1x128x64xf32, #tpu.memory_space<hbm>>
        %dma_start3A_61 = tpu.memref_squeeze %dma_start3A_60 : memref<1x128x64xf32, #tpu.memory_space<hbm>> -> memref<128x64xf32, #tpu.memory_space<hbm>>
        tpu.enqueue_dma source(%arg9 : memref<128x64xf32, #tpu.memory_space<vmem>>) target(%dma_start3A_61 : memref<128x64xf32, #tpu.memory_space<hbm>>) target_semaphore(%run_scoped3A : memref<!tpu.dma_semaphore, #tpu.memory_space<semaphore_mem>>)
        %dma_wait3A = arith.constant 0 : i32
        %dma_wait3A_62 = tpu.memref_slice %arg5[%arg0, %add3A_55, %dma_wait3A] : memref<2x10240x64xf32, #tpu.memory_space<hbm>> -> memref<1x128x64xf32, #tpu.memory_space<hbm>>
        %dma_wait3A_63 = tpu.memref_squeeze %dma_wait3A_62 : memref<1x128x64xf32, #tpu.memory_space<hbm>> -> memref<128x64xf32, #tpu.memory_space<hbm>>
        %dma_wait3A_64 = arith.constant 0 : i32
        %dma_wait3A_65 = tpu.memref_slice %arg5[%arg0, %add3A_55, %dma_wait3A_64] : memref<2x10240x64xf32, #tpu.memory_space<hbm>> -> memref<1x128x64xf32, #tpu.memory_space<hbm>>
        %dma_wait3A_66 = tpu.memref_squeeze %dma_wait3A_65 : memref<1x128x64xf32, #tpu.memory_space<hbm>> -> memref<128x64xf32, #tpu.memory_space<hbm>>
        tpu.wait_dma2 semaphore(%run_scoped3A : memref<!tpu.dma_semaphore, #tpu.memory_space<semaphore_mem>>) src(%arg9 : memref<128x64xf32, #tpu.memory_space<vmem>>) dst(%dma_wait3A_66 : memref<128x64xf32, #tpu.memory_space<hbm>>)
        tpu.yield
      }) : () -> ()
      "tpu.region"() ({
        %run_scoped3A = tpu.sem_alloc : memref<!tpu.dma_semaphore, #tpu.memory_space<semaphore_mem>>
        %dma_start3A_56 = arith.constant 0 : i32
        %dma_start3A_57 = tpu.memref_slice %arg19[%add3A_55, %dma_start3A_56] : memref<10240x16xf32, #tpu.memory_space<vmem_shared>> -> memref<128x16xf32, #tpu.memory_space<vmem_shared>>
        %dma_start3A_58 = arith.constant 0 : i32
        %dma_start3A_59 = tpu.memref_slice %arg19[%add3A_55, %dma_start3A_58] : memref<10240x16xf32, #tpu.memory_space<vmem_shared>> -> memref<128x16xf32, #tpu.memory_space<vmem_shared>>
        tpu.enqueue_dma source(%dma_start3A_59 : memref<128x16xf32, #tpu.memory_space<vmem_shared>>) target(%arg17 : memref<128x16xf32, #tpu.memory_space<vmem>>) target_semaphore(%run_scoped3A : memref<!tpu.dma_semaphore, #tpu.memory_space<semaphore_mem>>)
        %dma_wait3A = arith.constant 0 : i32
        %dma_wait3A_60 = tpu.memref_slice %arg19[%add3A_55, %dma_wait3A] : memref<10240x16xf32, #tpu.memory_space<vmem_shared>> -> memref<128x16xf32, #tpu.memory_space<vmem_shared>>
        %dma_wait3A_61 = arith.constant 0 : i32
        %dma_wait3A_62 = tpu.memref_slice %arg19[%add3A_55, %dma_wait3A_61] : memref<10240x16xf32, #tpu.memory_space<vmem_shared>> -> memref<128x16xf32, #tpu.memory_space<vmem_shared>>
        tpu.wait_dma2 semaphore(%run_scoped3A : memref<!tpu.dma_semaphore, #tpu.memory_space<semaphore_mem>>) src(%dma_wait3A_62 : memref<128x16xf32, #tpu.memory_space<vmem_shared>>) dst(%arg17 : memref<128x16xf32, #tpu.memory_space<vmem>>)
        tpu.yield
      }) : () -> ()
      "tpu.region"() ({
        %run_scoped3A = tpu.sem_alloc : memref<!tpu.dma_semaphore, #tpu.memory_space<semaphore_mem>>
        %dma_start3A_56 = arith.constant 0 : i32
        %dma_start3A_57 = tpu.memref_slice %arg6[%arg0, %add3A_55, %dma_start3A_56] : memref<2x10240x16xf32, #tpu.memory_space<hbm>> -> memref<1x128x16xf32, #tpu.memory_space<hbm>>
        %dma_start3A_58 = tpu.memref_squeeze %dma_start3A_57 : memref<1x128x16xf32, #tpu.memory_space<hbm>> -> memref<128x16xf32, #tpu.memory_space<hbm>>
        %dma_start3A_59 = arith.constant 0 : i32
        %dma_start3A_60 = tpu.memref_slice %arg6[%arg0, %add3A_55, %dma_start3A_59] : memref<2x10240x16xf32, #tpu.memory_space<hbm>> -> memref<1x128x16xf32, #tpu.memory_space<hbm>>
        %dma_start3A_61 = tpu.memref_squeeze %dma_start3A_60 : memref<1x128x16xf32, #tpu.memory_space<hbm>> -> memref<128x16xf32, #tpu.memory_space<hbm>>
        tpu.enqueue_dma source(%arg17 : memref<128x16xf32, #tpu.memory_space<vmem>>) target(%dma_start3A_61 : memref<128x16xf32, #tpu.memory_space<hbm>>) target_semaphore(%run_scoped3A : memref<!tpu.dma_semaphore, #tpu.memory_space<semaphore_mem>>)
        %dma_wait3A = arith.constant 0 : i32
        %dma_wait3A_62 = tpu.memref_slice %arg6[%arg0, %add3A_55, %dma_wait3A] : memref<2x10240x16xf32, #tpu.memory_space<hbm>> -> memref<1x128x16xf32, #tpu.memory_space<hbm>>
        %dma_wait3A_63 = tpu.memref_squeeze %dma_wait3A_62 : memref<1x128x16xf32, #tpu.memory_space<hbm>> -> memref<128x16xf32, #tpu.memory_space<hbm>>
        %dma_wait3A_64 = arith.constant 0 : i32
        %dma_wait3A_65 = tpu.memref_slice %arg6[%arg0, %add3A_55, %dma_wait3A_64] : memref<2x10240x16xf32, #tpu.memory_space<hbm>> -> memref<1x128x16xf32, #tpu.memory_space<hbm>>
        %dma_wait3A_66 = tpu.memref_squeeze %dma_wait3A_65 : memref<1x128x16xf32, #tpu.memory_space<hbm>> -> memref<128x16xf32, #tpu.memory_space<hbm>>
        tpu.wait_dma2 semaphore(%run_scoped3A : memref<!tpu.dma_semaphore, #tpu.memory_space<semaphore_mem>>) src(%arg17 : memref<128x16xf32, #tpu.memory_space<vmem>>) dst(%dma_wait3A_66 : memref<128x16xf32, #tpu.memory_space<hbm>>)
        tpu.yield
      }) : () -> ()
    }
    %scan3A_51 = arith.constant 5 : i32
    return
  }
}

#map = affine_map<(d0, d1) -> (0, 0)>
#map1 = affine_map<(d0, d1) -> (0, 0, 0)>
module attributes {stable_mosaic.version = 14 : i64} {
  func.func @body(%arg0: i32, %arg1: i32, %arg2: memref<10000x64xf32, #tpu.memory_space<hbm>>, %arg3: memref<32x80x128xi32, #tpu.memory_space<hbm>>, %arg4: memref<32x80x128xi32, #tpu.memory_space<hbm>>, %arg5: memref<2x10240x64xf32, #tpu.memory_space<hbm>>, %arg6: memref<80x128xi32, #tpu.memory_space<vmem>>, %arg7: memref<80x128xi32, #tpu.memory_space<vmem>>, %arg8: memref<128x64xf32, #tpu.memory_space<vmem>>, %arg9: memref<128x64xf32, #tpu.memory_space<vmem>>, %arg10: memref<16x64xf32, #tpu.memory_space<vmem>>, %arg11: memref<10240x64xf32, #tpu.memory_space<vmem_shared>>, %arg12: memref<!tpu.dma_semaphore, #tpu.memory_space<semaphore_mem>>, %arg13: memref<!tpu.dma_semaphore, #tpu.memory_space<semaphore_mem>>, %arg14: memref<!tpu.dma_semaphore, #tpu.memory_space<semaphore_mem>>, %arg15: memref<!tpu.dma_semaphore, #tpu.memory_space<semaphore_mem>>) attributes {dimension_semantics = [#tpu.dimension_semantics<core_parallel>, #tpu.dimension_semantics<subcore_parallel>], iteration_bounds = array<i64: 2, 16>, scalar_prefetch = 0 : i64, scratch_operands = 10 : i64, tpu.core_type = #tpu.core_type<sc_vector_subcore>, window_params = [{transform_indices = #map}, {transform_indices = #map1}, {transform_indices = #map1}, {transform_indices = #map1}]} {
    %mul3A = arith.constant 2 : i32
    %mul3A_0 = arith.muli %arg1, %mul3A : i32
    %add3A = arith.addi %mul3A_0, %arg0 : i32
    %mul3A_1 = arith.constant 640 : i32
    %mul3A_2 = arith.muli %arg1, %mul3A_1 : i32
    %scan3A = arith.constant 0 : i32
    %scan3A_3 = arith.constant 0 : i32
    %scan3A_4 = arith.constant 64 : i32
    %scan3A_5 = arith.addi %scan3A_3, %scan3A_4 : i32
    %scan3A_6 = arith.constant 1 : i32
    scf.for %scan3A_40 = %scan3A_3 to %scan3A_5 step %scan3A_6  : i32 {
      %jit3A = arith.constant 4 : i32
      %div3A = arith.divsi %scan3A_40, %jit3A : i32
      %sign3A = arith.constant 0 : i32
      %sign3A_41 = arith.cmpi sgt, %scan3A_40, %sign3A : i32
      %sign3A_42 = arith.extui %sign3A_41 : i1 to i32
      %sign3A_43 = arith.constant 0 : i32
      %sign3A_44 = arith.cmpi slt, %scan3A_40, %sign3A_43 : i32
      %sign3A_45 = arith.extui %sign3A_44 : i1 to i32
      %sign3A_46 = arith.subi %sign3A_42, %sign3A_45 : i32
      %sign3A_47 = arith.constant 0 : i32
      %sign3A_48 = arith.cmpi sgt, %jit3A, %sign3A_47 : i32
      %sign3A_49 = arith.extui %sign3A_48 : i1 to i32
      %sign3A_50 = arith.constant 0 : i32
      %sign3A_51 = arith.cmpi slt, %jit3A, %sign3A_50 : i32
      %sign3A_52 = arith.extui %sign3A_51 : i1 to i32
      %sign3A_53 = arith.subi %sign3A_49, %sign3A_52 : i32
      %ne3A = arith.cmpi ne, %sign3A_46, %sign3A_53 : i32
      %rem3A = arith.remsi %scan3A_40, %jit3A : i32
      %ne3A_54 = arith.constant 0 : i32
      %ne3A_55 = arith.cmpi ne, %rem3A, %ne3A_54 : i32
      %and3A = arith.andi %ne3A, %ne3A_55 : i1
      %sub3A = arith.constant 1 : i32
      %sub3A_56 = arith.subi %div3A, %sub3A : i32
      %select_n3A = arith.select %and3A, %sub3A_56, %div3A : i32
      %jit3A_57 = arith.constant 4 : i32
      %eq3A = arith.constant 0 : i32
      %eq3A_58 = arith.cmpi eq, %jit3A_57, %eq3A : i32
      %jit3A_59 = arith.constant 1 : i32
      %select_n3A_60 = arith.select %eq3A_58, %jit3A_59, %jit3A_57 : i32
      %rem3A_61 = arith.remsi %scan3A_40, %select_n3A_60 : i32
      %ne3A_62 = arith.constant 0 : i32
      %ne3A_63 = arith.cmpi ne, %rem3A_61, %ne3A_62 : i32
      %lt3A = arith.constant 0 : i32
      %lt3A_64 = arith.cmpi slt, %rem3A_61, %lt3A : i32
      %lt3A_65 = arith.constant 0 : i32
      %lt3A_66 = arith.cmpi slt, %select_n3A_60, %lt3A_65 : i32
      %ne3A_67 = arith.xori %lt3A_64, %lt3A_66 : i1
      %and3A_68 = arith.andi %ne3A_67, %ne3A_63 : i1
      %add3A_69 = arith.addi %rem3A_61, %select_n3A_60 : i32
      %select_n3A_70 = arith.select %and3A_68, %add3A_69, %rem3A_61 : i32
      %mul3A_71 = arith.constant 16 : i32
      %mul3A_72 = arith.muli %select_n3A_70, %mul3A_71 : i32
      %broadcast_in_dim3A = arith.constant 0.000000e+00 : f32
      %broadcast_in_dim3A_73 = vector.broadcast %broadcast_in_dim3A : f32 to vector<16xf32>
      %swap3A = arith.index_cast %select_n3A : i32 to index
      %swap3A_74 = arith.index_cast %mul3A_72 : i32 to index
      %swap3A_75 = tpu.vector_load %arg10[%swap3A, %swap3A_74] {strides = array<i32>} : memref<16x64xf32, #tpu.memory_space<vmem>>, vector<1x16xf32>,
      %swap3A_76 = vector.shape_cast %swap3A_75 : vector<1x16xf32> to vector<16xf32>
      %swap3A_77 = vector.shape_cast %broadcast_in_dim3A_73 : vector<16xf32> to vector<1x16xf32>
      tpu.vector_store %arg10[%swap3A, %swap3A_74], %swap3A_77 {strides = array<i32>} : memref<16x64xf32, #tpu.memory_space<vmem>>, vector<1x16xf32>,
    }
    %scan3A_7 = arith.constant 64 : i32
    %scan3A_8 = arith.constant 0 : i32
    %scan3A_9 = arith.constant 0 : i32
    %scan3A_10 = arith.constant 40 : i32
    %scan3A_11 = arith.addi %scan3A_9, %scan3A_10 : i32
    %scan3A_12 = arith.constant 1 : i32
    scf.for %scan3A_40 = %scan3A_9 to %scan3A_11 step %scan3A_12  : i32 {
      %mul3A_41 = arith.constant 16 : i32
      %mul3A_42 = arith.muli %scan3A_40, %mul3A_41 : i32
      %add3A_43 = arith.addi %mul3A_2, %mul3A_42 : i32
      "tpu.region"() ({
        %run_scoped3A = tpu.sem_alloc : memref<!tpu.dma_semaphore, #tpu.memory_space<semaphore_mem>>
        %dma_start3A_44 = arith.constant 0 : i32
        %dma_start3A_45 = tpu.memref_slice %arg11[%add3A_43, %dma_start3A_44] : memref<10240x64xf32, #tpu.memory_space<vmem_shared>> -> memref<16x64xf32, #tpu.memory_space<vmem_shared>>
        %dma_start3A_46 = arith.constant 0 : i32
        %dma_start3A_47 = tpu.memref_slice %arg11[%add3A_43, %dma_start3A_46] : memref<10240x64xf32, #tpu.memory_space<vmem_shared>> -> memref<16x64xf32, #tpu.memory_space<vmem_shared>>
        tpu.enqueue_dma source(%arg10 : memref<16x64xf32, #tpu.memory_space<vmem>>) target(%dma_start3A_47 : memref<16x64xf32, #tpu.memory_space<vmem_shared>>) target_semaphore(%run_scoped3A : memref<!tpu.dma_semaphore, #tpu.memory_space<semaphore_mem>>)
        %dma_wait3A = arith.constant 0 : i32
        %dma_wait3A_48 = tpu.memref_slice %arg11[%add3A_43, %dma_wait3A] : memref<10240x64xf32, #tpu.memory_space<vmem_shared>> -> memref<16x64xf32, #tpu.memory_space<vmem_shared>>
        %dma_wait3A_49 = arith.constant 0 : i32
        %dma_wait3A_50 = tpu.memref_slice %arg11[%add3A_43, %dma_wait3A_49] : memref<10240x64xf32, #tpu.memory_space<vmem_shared>> -> memref<16x64xf32, #tpu.memory_space<vmem_shared>>
        tpu.wait_dma2 semaphore(%run_scoped3A : memref<!tpu.dma_semaphore, #tpu.memory_space<semaphore_mem>>) src(%arg10 : memref<16x64xf32, #tpu.memory_space<vmem>>) dst(%dma_wait3A_50 : memref<16x64xf32, #tpu.memory_space<vmem_shared>>)
        tpu.yield
      }) : () -> ()
    }
    %scan3A_13 = arith.constant 40 : i32
    "tpu.region"() ({
      %run_scoped3A = tpu.sem_alloc : memref<!tpu.dma_semaphore, #tpu.memory_space<semaphore_mem>>
      %dma_start3A_40 = arith.constant 0 : i32
      %dma_start3A_41 = arith.constant 0 : i32
      %dma_start3A_42 = tpu.memref_slice %arg3[%add3A, %dma_start3A_40, %dma_start3A_41] : memref<32x80x128xi32, #tpu.memory_space<hbm>> -> memref<1x80x128xi32, #tpu.memory_space<hbm>>
      %dma_start3A_43 = tpu.memref_squeeze %dma_start3A_42 : memref<1x80x128xi32, #tpu.memory_space<hbm>> -> memref<80x128xi32, #tpu.memory_space<hbm>>
      %dma_start3A_44 = arith.constant 0 : i32
      %dma_start3A_45 = arith.constant 0 : i32
      %dma_start3A_46 = tpu.memref_slice %arg3[%add3A, %dma_start3A_44, %dma_start3A_45] : memref<32x80x128xi32, #tpu.memory_space<hbm>> -> memref<1x80x128xi32, #tpu.memory_space<hbm>>
      %dma_start3A_47 = tpu.memref_squeeze %dma_start3A_46 : memref<1x80x128xi32, #tpu.memory_space<hbm>> -> memref<80x128xi32, #tpu.memory_space<hbm>>
      tpu.enqueue_dma source(%dma_start3A_47 : memref<80x128xi32, #tpu.memory_space<hbm>>) target(%arg6 : memref<80x128xi32, #tpu.memory_space<vmem>>) target_semaphore(%run_scoped3A : memref<!tpu.dma_semaphore, #tpu.memory_space<semaphore_mem>>)
      %dma_wait3A = arith.constant 0 : i32
      %dma_wait3A_48 = arith.constant 0 : i32
      %dma_wait3A_49 = tpu.memref_slice %arg3[%add3A, %dma_wait3A, %dma_wait3A_48] : memref<32x80x128xi32, #tpu.memory_space<hbm>> -> memref<1x80x128xi32, #tpu.memory_space<hbm>>
      %dma_wait3A_50 = tpu.memref_squeeze %dma_wait3A_49 : memref<1x80x128xi32, #tpu.memory_space<hbm>> -> memref<80x128xi32, #tpu.memory_space<hbm>>
      %dma_wait3A_51 = arith.constant 0 : i32
      %dma_wait3A_52 = arith.constant 0 : i32
      %dma_wait3A_53 = tpu.memref_slice %arg3[%add3A, %dma_wait3A_51, %dma_wait3A_52] : memref<32x80x128xi32, #tpu.memory_space<hbm>> -> memref<1x80x128xi32, #tpu.memory_space<hbm>>
      %dma_wait3A_54 = tpu.memref_squeeze %dma_wait3A_53 : memref<1x80x128xi32, #tpu.memory_space<hbm>> -> memref<80x128xi32, #tpu.memory_space<hbm>>
      tpu.wait_dma2 semaphore(%run_scoped3A : memref<!tpu.dma_semaphore, #tpu.memory_space<semaphore_mem>>) src(%dma_wait3A_54 : memref<80x128xi32, #tpu.memory_space<hbm>>) dst(%arg6 : memref<80x128xi32, #tpu.memory_space<vmem>>)
      tpu.yield
    }) : () -> ()
    "tpu.region"() ({
      %run_scoped3A = tpu.sem_alloc : memref<!tpu.dma_semaphore, #tpu.memory_space<semaphore_mem>>
      %dma_start3A_40 = arith.constant 0 : i32
      %dma_start3A_41 = arith.constant 0 : i32
      %dma_start3A_42 = tpu.memref_slice %arg4[%add3A, %dma_start3A_40, %dma_start3A_41] : memref<32x80x128xi32, #tpu.memory_space<hbm>> -> memref<1x80x128xi32, #tpu.memory_space<hbm>>
      %dma_start3A_43 = tpu.memref_squeeze %dma_start3A_42 : memref<1x80x128xi32, #tpu.memory_space<hbm>> -> memref<80x128xi32, #tpu.memory_space<hbm>>
      %dma_start3A_44 = arith.constant 0 : i32
      %dma_start3A_45 = arith.constant 0 : i32
      %dma_start3A_46 = tpu.memref_slice %arg4[%add3A, %dma_start3A_44, %dma_start3A_45] : memref<32x80x128xi32, #tpu.memory_space<hbm>> -> memref<1x80x128xi32, #tpu.memory_space<hbm>>
      %dma_start3A_47 = tpu.memref_squeeze %dma_start3A_46 : memref<1x80x128xi32, #tpu.memory_space<hbm>> -> memref<80x128xi32, #tpu.memory_space<hbm>>
      tpu.enqueue_dma source(%dma_start3A_47 : memref<80x128xi32, #tpu.memory_space<hbm>>) target(%arg7 : memref<80x128xi32, #tpu.memory_space<vmem>>) target_semaphore(%run_scoped3A : memref<!tpu.dma_semaphore, #tpu.memory_space<semaphore_mem>>)
      %dma_wait3A = arith.constant 0 : i32
      %dma_wait3A_48 = arith.constant 0 : i32
      %dma_wait3A_49 = tpu.memref_slice %arg4[%add3A, %dma_wait3A, %dma_wait3A_48] : memref<32x80x128xi32, #tpu.memory_space<hbm>> -> memref<1x80x128xi32, #tpu.memory_space<hbm>>
      %dma_wait3A_50 = tpu.memref_squeeze %dma_wait3A_49 : memref<1x80x128xi32, #tpu.memory_space<hbm>> -> memref<80x128xi32, #tpu.memory_space<hbm>>
      %dma_wait3A_51 = arith.constant 0 : i32
      %dma_wait3A_52 = arith.constant 0 : i32
      %dma_wait3A_53 = tpu.memref_slice %arg4[%add3A, %dma_wait3A_51, %dma_wait3A_52] : memref<32x80x128xi32, #tpu.memory_space<hbm>> -> memref<1x80x128xi32, #tpu.memory_space<hbm>>
      %dma_wait3A_54 = tpu.memref_squeeze %dma_wait3A_53 : memref<1x80x128xi32, #tpu.memory_space<hbm>> -> memref<80x128xi32, #tpu.memory_space<hbm>>
      tpu.wait_dma2 semaphore(%run_scoped3A : memref<!tpu.dma_semaphore, #tpu.memory_space<semaphore_mem>>) src(%dma_wait3A_54 : memref<80x128xi32, #tpu.memory_space<hbm>>) dst(%arg7 : memref<80x128xi32, #tpu.memory_space<vmem>>)
      tpu.yield
    }) : () -> ()
    %barrier3A = arith.constant 0 : index
    tpu.barrier barrier_id(%barrier3A)
    %dma_start3A = arith.constant 0 : i32
    %dma_start3A_14 = arith.constant 0 : i32
    %dma_start3A_15 = tpu.memref_slice %arg6[%dma_start3A, %dma_start3A_14] : memref<80x128xi32, #tpu.memory_space<vmem>> -> memref<1x128xi32, #tpu.memory_space<vmem>>
    %dma_start3A_16 = tpu.memref_squeeze %dma_start3A_15 : memref<1x128xi32, #tpu.memory_space<vmem>> -> memref<128xi32, #tpu.memory_space<vmem>>
    %dma_start3A_17 = arith.constant 0 : i32
    %dma_start3A_18 = arith.constant 0 : i32
    %dma_start3A_19 = tpu.memref_slice %arg2[%dma_start3A_17, %dma_start3A_18] : memref<10000x64xf32, #tpu.memory_space<hbm>> -> memref<10000x64xf32, #tpu.memory_space<hbm>>
    tpu.enqueue_indirect_dma source(%dma_start3A_19 : memref<10000x64xf32, #tpu.memory_space<hbm>>) target(%arg8 : memref<128x64xf32, #tpu.memory_space<vmem>>) offsets(%dma_start3A_16 : memref<128xi32, #tpu.memory_space<vmem>>) semaphore(%arg12 : memref<!tpu.dma_semaphore, #tpu.memory_space<semaphore_mem>>)
    %dma_start3A_20 = arith.constant 1 : i32
    %dma_start3A_21 = arith.constant 0 : i32
    %dma_start3A_22 = tpu.memref_slice %arg6[%dma_start3A_20, %dma_start3A_21] : memref<80x128xi32, #tpu.memory_space<vmem>> -> memref<1x128xi32, #tpu.memory_space<vmem>>
    %dma_start3A_23 = tpu.memref_squeeze %dma_start3A_22 : memref<1x128xi32, #tpu.memory_space<vmem>> -> memref<128xi32, #tpu.memory_space<vmem>>
    %dma_start3A_24 = arith.constant 0 : i32
    %dma_start3A_25 = arith.constant 0 : i32
    %dma_start3A_26 = tpu.memref_slice %arg2[%dma_start3A_24, %dma_start3A_25] : memref<10000x64xf32, #tpu.memory_space<hbm>> -> memref<10000x64xf32, #tpu.memory_space<hbm>>
    tpu.enqueue_indirect_dma source(%dma_start3A_26 : memref<10000x64xf32, #tpu.memory_space<hbm>>) target(%arg9 : memref<128x64xf32, #tpu.memory_space<vmem>>) offsets(%dma_start3A_23 : memref<128xi32, #tpu.memory_space<vmem>>) semaphore(%arg13 : memref<!tpu.dma_semaphore, #tpu.memory_space<semaphore_mem>>)
    %scan3A_27 = arith.constant 0 : i32
    %scan3A_28 = arith.constant 0 : i32
    %scan3A_29 = arith.constant 40 : i32
    %scan3A_30 = arith.addi %scan3A_28, %scan3A_29 : i32
    %scan3A_31 = arith.constant 1 : i32
    scf.for %scan3A_40 = %scan3A_28 to %scan3A_30 step %scan3A_31  : i32 {
      %mul3A_41 = arith.constant 2 : i32
      %mul3A_42 = arith.muli %mul3A_41, %scan3A_40 : i32
      %add3A_43 = arith.constant 1 : i32
      %add3A_44 = arith.addi %mul3A_42, %add3A_43 : i32
      %dma_wait3A = arith.constant 0 : i32
      %dma_wait3A_45 = tpu.memref_slice %arg6[%mul3A_42, %dma_wait3A] : memref<80x128xi32, #tpu.memory_space<vmem>> -> memref<1x128xi32, #tpu.memory_space<vmem>>
      %dma_wait3A_46 = tpu.memref_squeeze %dma_wait3A_45 : memref<1x128xi32, #tpu.memory_space<vmem>> -> memref<128xi32, #tpu.memory_space<vmem>>
      %dma_wait3A_47 = arith.constant 0 : i32
      %dma_wait3A_48 = arith.constant 0 : i32
      %dma_wait3A_49 = tpu.memref_slice %arg2[%dma_wait3A_47, %dma_wait3A_48] : memref<10000x64xf32, #tpu.memory_space<hbm>> -> memref<10000x64xf32, #tpu.memory_space<hbm>>
      tpu.wait_indirect_dma semaphore(%arg12 : memref<!tpu.dma_semaphore, #tpu.memory_space<semaphore_mem>>) src(%dma_wait3A_49 : memref<10000x64xf32, #tpu.memory_space<hbm>>) dst(%arg8 : memref<128x64xf32, #tpu.memory_space<vmem>>)
      "tpu.region"() ({
        %run_scoped3A = tpu.sem_alloc : memref<!tpu.dma_semaphore, #tpu.memory_space<semaphore_mem>>
        %dma_start3A_67 = arith.constant 0 : i32
        %dma_start3A_68 = tpu.memref_slice %arg7[%mul3A_42, %dma_start3A_67] : memref<80x128xi32, #tpu.memory_space<vmem>> -> memref<1x128xi32, #tpu.memory_space<vmem>>
        %dma_start3A_69 = tpu.memref_squeeze %dma_start3A_68 : memref<1x128xi32, #tpu.memory_space<vmem>> -> memref<128xi32, #tpu.memory_space<vmem>>
        %dma_start3A_70 = arith.constant 0 : i32
        %dma_start3A_71 = arith.constant 0 : i32
        %dma_start3A_72 = tpu.memref_slice %arg11[%dma_start3A_70, %dma_start3A_71] : memref<10240x64xf32, #tpu.memory_space<vmem_shared>> -> memref<10240x64xf32, #tpu.memory_space<vmem_shared>>
        tpu.enqueue_indirect_dma source(%arg8 : memref<128x64xf32, #tpu.memory_space<vmem>>) target(%dma_start3A_72 : memref<10240x64xf32, #tpu.memory_space<vmem_shared>>) offsets(%dma_start3A_69 : memref<128xi32, #tpu.memory_space<vmem>>) semaphore(%run_scoped3A : memref<!tpu.dma_semaphore, #tpu.memory_space<semaphore_mem>>) {add = true}
        %dma_wait3A_73 = arith.constant 0 : i32
        %dma_wait3A_74 = tpu.memref_slice %arg7[%mul3A_42, %dma_wait3A_73] : memref<80x128xi32, #tpu.memory_space<vmem>> -> memref<1x128xi32, #tpu.memory_space<vmem>>
        %dma_wait3A_75 = tpu.memref_squeeze %dma_wait3A_74 : memref<1x128xi32, #tpu.memory_space<vmem>> -> memref<128xi32, #tpu.memory_space<vmem>>
        %dma_wait3A_76 = arith.constant 0 : i32
        %dma_wait3A_77 = arith.constant 0 : i32
        %dma_wait3A_78 = tpu.memref_slice %arg11[%dma_wait3A_76, %dma_wait3A_77] : memref<10240x64xf32, #tpu.memory_space<vmem_shared>> -> memref<10240x64xf32, #tpu.memory_space<vmem_shared>>
        tpu.wait_indirect_dma semaphore(%run_scoped3A : memref<!tpu.dma_semaphore, #tpu.memory_space<semaphore_mem>>) src(%arg8 : memref<128x64xf32, #tpu.memory_space<vmem>>) dst(%dma_wait3A_78 : memref<10240x64xf32, #tpu.memory_space<vmem_shared>>)
        tpu.yield
      }) : () -> ()
      %add3A_50 = arith.constant 2 : i32
      %add3A_51 = arith.addi %mul3A_42, %add3A_50 : i32
      %lt3A = arith.constant 80 : i32
      %lt3A_52 = arith.cmpi slt, %add3A_51, %lt3A : i32
      %convert_element_type3A = arith.extui %lt3A_52 : i1 to i32
      %cond3A = arith.constant 0 : i32
      %cond3A_53 = arith.cmpi ne, %convert_element_type3A, %cond3A : i32
      scf.if %cond3A_53 {
        %add3A_67 = arith.constant 2 : i32
        %add3A_68 = arith.addi %mul3A_42, %add3A_67 : i32
        %dma_start3A_69 = arith.constant 0 : i32
        %dma_start3A_70 = tpu.memref_slice %arg6[%add3A_68, %dma_start3A_69] : memref<80x128xi32, #tpu.memory_space<vmem>> -> memref<1x128xi32, #tpu.memory_space<vmem>>
        %dma_start3A_71 = tpu.memref_squeeze %dma_start3A_70 : memref<1x128xi32, #tpu.memory_space<vmem>> -> memref<128xi32, #tpu.memory_space<vmem>>
        %dma_start3A_72 = arith.constant 0 : i32
        %dma_start3A_73 = arith.constant 0 : i32
        %dma_start3A_74 = tpu.memref_slice %arg2[%dma_start3A_72, %dma_start3A_73] : memref<10000x64xf32, #tpu.memory_space<hbm>> -> memref<10000x64xf32, #tpu.memory_space<hbm>>
        tpu.enqueue_indirect_dma source(%dma_start3A_74 : memref<10000x64xf32, #tpu.memory_space<hbm>>) target(%arg8 : memref<128x64xf32, #tpu.memory_space<vmem>>) offsets(%dma_start3A_71 : memref<128xi32, #tpu.memory_space<vmem>>) semaphore(%arg12 : memref<!tpu.dma_semaphore, #tpu.memory_space<semaphore_mem>>)
      } else {
      }
      %dma_wait3A_54 = arith.constant 0 : i32
      %dma_wait3A_55 = tpu.memref_slice %arg6[%add3A_44, %dma_wait3A_54] : memref<80x128xi32, #tpu.memory_space<vmem>> -> memref<1x128xi32, #tpu.memory_space<vmem>>
      %dma_wait3A_56 = tpu.memref_squeeze %dma_wait3A_55 : memref<1x128xi32, #tpu.memory_space<vmem>> -> memref<128xi32, #tpu.memory_space<vmem>>
      %dma_wait3A_57 = arith.constant 0 : i32
      %dma_wait3A_58 = arith.constant 0 : i32
      %dma_wait3A_59 = tpu.memref_slice %arg2[%dma_wait3A_57, %dma_wait3A_58] : memref<10000x64xf32, #tpu.memory_space<hbm>> -> memref<10000x64xf32, #tpu.memory_space<hbm>>
      tpu.wait_indirect_dma semaphore(%arg13 : memref<!tpu.dma_semaphore, #tpu.memory_space<semaphore_mem>>) src(%dma_wait3A_59 : memref<10000x64xf32, #tpu.memory_space<hbm>>) dst(%arg9 : memref<128x64xf32, #tpu.memory_space<vmem>>)
      "tpu.region"() ({
        %run_scoped3A = tpu.sem_alloc : memref<!tpu.dma_semaphore, #tpu.memory_space<semaphore_mem>>
        %dma_start3A_67 = arith.constant 0 : i32
        %dma_start3A_68 = tpu.memref_slice %arg7[%add3A_44, %dma_start3A_67] : memref<80x128xi32, #tpu.memory_space<vmem>> -> memref<1x128xi32, #tpu.memory_space<vmem>>
        %dma_start3A_69 = tpu.memref_squeeze %dma_start3A_68 : memref<1x128xi32, #tpu.memory_space<vmem>> -> memref<128xi32, #tpu.memory_space<vmem>>
        %dma_start3A_70 = arith.constant 0 : i32
        %dma_start3A_71 = arith.constant 0 : i32
        %dma_start3A_72 = tpu.memref_slice %arg11[%dma_start3A_70, %dma_start3A_71] : memref<10240x64xf32, #tpu.memory_space<vmem_shared>> -> memref<10240x64xf32, #tpu.memory_space<vmem_shared>>
        tpu.enqueue_indirect_dma source(%arg9 : memref<128x64xf32, #tpu.memory_space<vmem>>) target(%dma_start3A_72 : memref<10240x64xf32, #tpu.memory_space<vmem_shared>>) offsets(%dma_start3A_69 : memref<128xi32, #tpu.memory_space<vmem>>) semaphore(%run_scoped3A : memref<!tpu.dma_semaphore, #tpu.memory_space<semaphore_mem>>) {add = true}
        %dma_wait3A_73 = arith.constant 0 : i32
        %dma_wait3A_74 = tpu.memref_slice %arg7[%add3A_44, %dma_wait3A_73] : memref<80x128xi32, #tpu.memory_space<vmem>> -> memref<1x128xi32, #tpu.memory_space<vmem>>
        %dma_wait3A_75 = tpu.memref_squeeze %dma_wait3A_74 : memref<1x128xi32, #tpu.memory_space<vmem>> -> memref<128xi32, #tpu.memory_space<vmem>>
        %dma_wait3A_76 = arith.constant 0 : i32
        %dma_wait3A_77 = arith.constant 0 : i32
        %dma_wait3A_78 = tpu.memref_slice %arg11[%dma_wait3A_76, %dma_wait3A_77] : memref<10240x64xf32, #tpu.memory_space<vmem_shared>> -> memref<10240x64xf32, #tpu.memory_space<vmem_shared>>
        tpu.wait_indirect_dma semaphore(%run_scoped3A : memref<!tpu.dma_semaphore, #tpu.memory_space<semaphore_mem>>) src(%arg9 : memref<128x64xf32, #tpu.memory_space<vmem>>) dst(%dma_wait3A_78 : memref<10240x64xf32, #tpu.memory_space<vmem_shared>>)
        tpu.yield
      }) : () -> ()
      %add3A_60 = arith.constant 2 : i32
      %add3A_61 = arith.addi %add3A_44, %add3A_60 : i32
      %lt3A_62 = arith.constant 80 : i32
      %lt3A_63 = arith.cmpi slt, %add3A_61, %lt3A_62 : i32
      %convert_element_type3A_64 = arith.extui %lt3A_63 : i1 to i32
      %cond3A_65 = arith.constant 0 : i32
      %cond3A_66 = arith.cmpi ne, %convert_element_type3A_64, %cond3A_65 : i32
      scf.if %cond3A_66 {
        %add3A_67 = arith.constant 2 : i32
        %add3A_68 = arith.addi %add3A_44, %add3A_67 : i32
        %dma_start3A_69 = arith.constant 0 : i32
        %dma_start3A_70 = tpu.memref_slice %arg6[%add3A_68, %dma_start3A_69] : memref<80x128xi32, #tpu.memory_space<vmem>> -> memref<1x128xi32, #tpu.memory_space<vmem>>
        %dma_start3A_71 = tpu.memref_squeeze %dma_start3A_70 : memref<1x128xi32, #tpu.memory_space<vmem>> -> memref<128xi32, #tpu.memory_space<vmem>>
        %dma_start3A_72 = arith.constant 0 : i32
        %dma_start3A_73 = arith.constant 0 : i32
        %dma_start3A_74 = tpu.memref_slice %arg2[%dma_start3A_72, %dma_start3A_73] : memref<10000x64xf32, #tpu.memory_space<hbm>> -> memref<10000x64xf32, #tpu.memory_space<hbm>>
        tpu.enqueue_indirect_dma source(%dma_start3A_74 : memref<10000x64xf32, #tpu.memory_space<hbm>>) target(%arg9 : memref<128x64xf32, #tpu.memory_space<vmem>>) offsets(%dma_start3A_71 : memref<128xi32, #tpu.memory_space<vmem>>) semaphore(%arg13 : memref<!tpu.dma_semaphore, #tpu.memory_space<semaphore_mem>>)
      } else {
      }
    }
    %scan3A_32 = arith.constant 40 : i32
    %barrier3A_33 = arith.constant 0 : index
    tpu.barrier barrier_id(%barrier3A_33)
    %scan3A_34 = arith.constant 0 : i32
    %scan3A_35 = arith.constant 0 : i32
    %scan3A_36 = arith.constant 5 : i32
    %scan3A_37 = arith.addi %scan3A_35, %scan3A_36 : i32
    %scan3A_38 = arith.constant 1 : i32
    scf.for %scan3A_40 = %scan3A_35 to %scan3A_37 step %scan3A_38  : i32 {
      %mul3A_41 = arith.constant 128 : i32
      %mul3A_42 = arith.muli %scan3A_40, %mul3A_41 : i32
      %add3A_43 = arith.addi %mul3A_2, %mul3A_42 : i32
      "tpu.region"() ({
        %run_scoped3A = tpu.sem_alloc : memref<!tpu.dma_semaphore, #tpu.memory_space<semaphore_mem>>
        %dma_start3A_44 = arith.constant 0 : i32
        %dma_start3A_45 = tpu.memref_slice %arg11[%add3A_43, %dma_start3A_44] : memref<10240x64xf32, #tpu.memory_space<vmem_shared>> -> memref<128x64xf32, #tpu.memory_space<vmem_shared>>
        %dma_start3A_46 = arith.constant 0 : i32
        %dma_start3A_47 = tpu.memref_slice %arg11[%add3A_43, %dma_start3A_46] : memref<10240x64xf32, #tpu.memory_space<vmem_shared>> -> memref<128x64xf32, #tpu.memory_space<vmem_shared>>
        tpu.enqueue_dma source(%dma_start3A_47 : memref<128x64xf32, #tpu.memory_space<vmem_shared>>) target(%arg8 : memref<128x64xf32, #tpu.memory_space<vmem>>) target_semaphore(%run_scoped3A : memref<!tpu.dma_semaphore, #tpu.memory_space<semaphore_mem>>)
        %dma_wait3A = arith.constant 0 : i32
        %dma_wait3A_48 = tpu.memref_slice %arg11[%add3A_43, %dma_wait3A] : memref<10240x64xf32, #tpu.memory_space<vmem_shared>> -> memref<128x64xf32, #tpu.memory_space<vmem_shared>>
        %dma_wait3A_49 = arith.constant 0 : i32
        %dma_wait3A_50 = tpu.memref_slice %arg11[%add3A_43, %dma_wait3A_49] : memref<10240x64xf32, #tpu.memory_space<vmem_shared>> -> memref<128x64xf32, #tpu.memory_space<vmem_shared>>
        tpu.wait_dma2 semaphore(%run_scoped3A : memref<!tpu.dma_semaphore, #tpu.memory_space<semaphore_mem>>) src(%dma_wait3A_50 : memref<128x64xf32, #tpu.memory_space<vmem_shared>>) dst(%arg8 : memref<128x64xf32, #tpu.memory_space<vmem>>)
        tpu.yield
      }) : () -> ()
      "tpu.region"() ({
        %run_scoped3A = tpu.sem_alloc : memref<!tpu.dma_semaphore, #tpu.memory_space<semaphore_mem>>
        %dma_start3A_44 = arith.constant 0 : i32
        %dma_start3A_45 = tpu.memref_slice %arg5[%arg0, %add3A_43, %dma_start3A_44] : memref<2x10240x64xf32, #tpu.memory_space<hbm>> -> memref<1x128x64xf32, #tpu.memory_space<hbm>>
        %dma_start3A_46 = tpu.memref_squeeze %dma_start3A_45 : memref<1x128x64xf32, #tpu.memory_space<hbm>> -> memref<128x64xf32, #tpu.memory_space<hbm>>
        %dma_start3A_47 = arith.constant 0 : i32
        %dma_start3A_48 = tpu.memref_slice %arg5[%arg0, %add3A_43, %dma_start3A_47] : memref<2x10240x64xf32, #tpu.memory_space<hbm>> -> memref<1x128x64xf32, #tpu.memory_space<hbm>>
        %dma_start3A_49 = tpu.memref_squeeze %dma_start3A_48 : memref<1x128x64xf32, #tpu.memory_space<hbm>> -> memref<128x64xf32, #tpu.memory_space<hbm>>
        tpu.enqueue_dma source(%arg8 : memref<128x64xf32, #tpu.memory_space<vmem>>) target(%dma_start3A_49 : memref<128x64xf32, #tpu.memory_space<hbm>>) target_semaphore(%run_scoped3A : memref<!tpu.dma_semaphore, #tpu.memory_space<semaphore_mem>>)
        %dma_wait3A = arith.constant 0 : i32
        %dma_wait3A_50 = tpu.memref_slice %arg5[%arg0, %add3A_43, %dma_wait3A] : memref<2x10240x64xf32, #tpu.memory_space<hbm>> -> memref<1x128x64xf32, #tpu.memory_space<hbm>>
        %dma_wait3A_51 = tpu.memref_squeeze %dma_wait3A_50 : memref<1x128x64xf32, #tpu.memory_space<hbm>> -> memref<128x64xf32, #tpu.memory_space<hbm>>
        %dma_wait3A_52 = arith.constant 0 : i32
        %dma_wait3A_53 = tpu.memref_slice %arg5[%arg0, %add3A_43, %dma_wait3A_52] : memref<2x10240x64xf32, #tpu.memory_space<hbm>> -> memref<1x128x64xf32, #tpu.memory_space<hbm>>
        %dma_wait3A_54 = tpu.memref_squeeze %dma_wait3A_53 : memref<1x128x64xf32, #tpu.memory_space<hbm>> -> memref<128x64xf32, #tpu.memory_space<hbm>>
        tpu.wait_dma2 semaphore(%run_scoped3A : memref<!tpu.dma_semaphore, #tpu.memory_space<semaphore_mem>>) src(%arg8 : memref<128x64xf32, #tpu.memory_space<vmem>>) dst(%dma_wait3A_54 : memref<128x64xf32, #tpu.memory_space<hbm>>)
        tpu.yield
      }) : () -> ()
    }
    %scan3A_39 = arith.constant 5 : i32
    return
  }
}

module attributes {stable_mosaic.version = 14 : i64} {
  func.func @_proj_body(%arg0: i32, %arg1: memref<1000x128xf32, #tpu.memory_space<vmem>>, %arg2: memref<128x64xf32, #tpu.memory_space<vmem>>, %arg3: memref<128x64xf32, #tpu.memory_space<vmem>>, %arg4: memref<1000x64xf32, #tpu.memory_space<vmem>>, %arg5: memref<1000x64xf32, #tpu.memory_space<vmem>>) attributes {dimension_semantics = [#tpu.dimension_semantics<arbitrary>], iteration_bounds = array<i64: 10>, scalar_prefetch = 0 : i64, scratch_operands = 0 : i64, tpu.core_type = #tpu.core_type<tc>, window_params = [{transform_indices = @transform_0, window_bounds = array<i64: 1000, 128>}, {pipeline_mode = #tpu.pipeline_mode<synchronous>, transform_indices = @transform_1, window_bounds = array<i64: 128, 64>}, {pipeline_mode = #tpu.pipeline_mode<synchronous>, transform_indices = @transform_2, window_bounds = array<i64: 128, 64>}, {transform_indices = @transform_3, window_bounds = array<i64: 1000, 64>}, {transform_indices = @transform_4, window_bounds = array<i64: 1000, 64>}]} {
    %get3A = arith.constant 0 : index
    %get3A_0 = arith.constant 0 : index
    %get3A_1 = vector.load %arg1[%get3A, %get3A_0] : memref<1000x128xf32, #tpu.memory_space<vmem>>, vector<1000x128xf32>
    %get3A_2 = arith.constant 0 : index
    %get3A_3 = arith.constant 0 : index
    %get3A_4 = vector.load %arg2[%get3A_2, %get3A_3] : memref<128x64xf32, #tpu.memory_space<vmem>>, vector<128x64xf32>
    %dot_general3A = arith.constant dense<0.000000e+00> : vector<1000x64xf32>
    %dot_general3A_5 = tpu.matmul %get3A_1, %get3A_4, %dot_general3A {dimension_numbers = #tpu.dot_dimension_numbers<[1], [0], [0], [1], [0, 0, 1, 1], [], []>, transpose_lhs_hint = false} : vector<1000x128xf32>, vector<128x64xf32>, vector<1000x64xf32> -> vector<1000x64xf32>
    %swap3A = arith.constant 0 : index
    %swap3A_6 = arith.constant 0 : index
    %swap3A_7 = vector.load %arg4[%swap3A, %swap3A_6] : memref<1000x64xf32, #tpu.memory_space<vmem>>, vector<1000x64xf32>
    tpu.vector_store %arg4[%swap3A, %swap3A_6], %dot_general3A_5 {strides = array<i32>} : memref<1000x64xf32, #tpu.memory_space<vmem>>, vector<1000x64xf32>,
    %get3A_8 = arith.constant 0 : index
    %get3A_9 = arith.constant 0 : index
    %get3A_10 = vector.load %arg3[%get3A_8, %get3A_9] : memref<128x64xf32, #tpu.memory_space<vmem>>, vector<128x64xf32>
    %dot_general3A_11 = arith.constant dense<0.000000e+00> : vector<1000x64xf32>
    %dot_general3A_12 = tpu.matmul %get3A_1, %get3A_10, %dot_general3A_11 {dimension_numbers = #tpu.dot_dimension_numbers<[1], [0], [0], [1], [0, 0, 1, 1], [], []>, transpose_lhs_hint = false} : vector<1000x128xf32>, vector<128x64xf32>, vector<1000x64xf32> -> vector<1000x64xf32>
    %swap3A_13 = arith.constant 0 : index
    %swap3A_14 = arith.constant 0 : index
    %swap3A_15 = vector.load %arg5[%swap3A_13, %swap3A_14] : memref<1000x64xf32, #tpu.memory_space<vmem>>, vector<1000x64xf32>
    tpu.vector_store %arg5[%swap3A_13, %swap3A_14], %dot_general3A_12 {strides = array<i32>} : memref<1000x64xf32, #tpu.memory_space<vmem>>, vector<1000x64xf32>,
    return
  }
  func.func @transform_0(%arg0: i32) -> (i32, i32) {
    %c0_i32 = arith.constant 0 : i32
    %c0_i32_0 = arith.constant 0 : i32
    return %arg0, %c0_i32 : i32, i32
  }
  func.func @transform_1(%arg0: i32) -> (i32, i32) {
    %c0_i32 = arith.constant 0 : i32
    %c0_i32_0 = arith.constant 0 : i32
    %c0_i32_1 = arith.constant 0 : i32
    return %c0_i32, %c0_i32_0 : i32, i32
  }
  func.func @transform_2(%arg0: i32) -> (i32, i32) {
    %c0_i32 = arith.constant 0 : i32
    %c0_i32_0 = arith.constant 0 : i32
    %c0_i32_1 = arith.constant 0 : i32
    return %c0_i32, %c0_i32_0 : i32, i32
  }
  func.func @transform_3(%arg0: i32) -> (i32, i32) {
    %c0_i32 = arith.constant 0 : i32
    %c0_i32_0 = arith.constant 0 : i32
    return %arg0, %c0_i32 : i32, i32
  }
  func.func @transform_4(%arg0: i32) -> (i32, i32) {
    %c0_i32 = arith.constant 0 : i32
    %c0_i32_0 = arith.constant 0 : i32
    return %arg0, %c0_i32 : i32, i32
  }
}

module attributes {stable_mosaic.version = 14 : i64} {
  func.func @_mid_body(%arg0: i32, %arg1: memref<2x1000x64xf32, #tpu.memory_space<vmem>>, %arg2: memref<2x1000x16xf32, #tpu.memory_space<vmem>>, %arg3: memref<1000x64xf32, #tpu.memory_space<vmem>>, %arg4: memref<1x64xf32, #tpu.memory_space<vmem>>, %arg5: memref<64x64xf32, #tpu.memory_space<vmem>>, %arg6: memref<64x64xf32, #tpu.memory_space<vmem>>, %arg7: memref<1000x64xf32, #tpu.memory_space<vmem>>, %arg8: memref<1000x64xf32, #tpu.memory_space<vmem>>) attributes {dimension_semantics = [#tpu.dimension_semantics<arbitrary>], iteration_bounds = array<i64: 10>, scalar_prefetch = 0 : i64, scratch_operands = 0 : i64, tpu.core_type = #tpu.core_type<tc>, window_params = [{transform_indices = @transform_0, window_bounds = array<i64: 2, 1000, 64>}, {transform_indices = @transform_1, window_bounds = array<i64: 2, 1000, 16>}, {transform_indices = @transform_2, window_bounds = array<i64: 1000, 64>}, {pipeline_mode = #tpu.pipeline_mode<synchronous>, transform_indices = @transform_3, window_bounds = array<i64: 1, 64>}, {pipeline_mode = #tpu.pipeline_mode<synchronous>, transform_indices = @transform_4, window_bounds = array<i64: 64, 64>}, {pipeline_mode = #tpu.pipeline_mode<synchronous>, transform_indices = @transform_5, window_bounds = array<i64: 64, 64>}, {transform_indices = @transform_6, window_bounds = array<i64: 1000, 64>}, {transform_indices = @transform_7, window_bounds = array<i64: 1000, 64>}]} {
    %get3A = arith.constant 0 : index
    %get3A_0 = arith.constant 0 : index
    %get3A_1 = arith.constant 0 : index
    %get3A_2 = vector.load %arg1[%get3A, %get3A_0, %get3A_1] : memref<2x1000x64xf32, #tpu.memory_space<vmem>>, vector<1x1000x64xf32>
    %get3A_3 = vector.shape_cast %get3A_2 : vector<1x1000x64xf32> to vector<1000x64xf32>
    %get3A_4 = arith.constant 1 : index
    %get3A_5 = arith.constant 0 : index
    %get3A_6 = arith.constant 0 : index
    %get3A_7 = vector.load %arg1[%get3A_4, %get3A_5, %get3A_6] : memref<2x1000x64xf32, #tpu.memory_space<vmem>>, vector<1x1000x64xf32>
    %get3A_8 = vector.shape_cast %get3A_7 : vector<1x1000x64xf32> to vector<1000x64xf32>
    %add3A = arith.addf %get3A_3, %get3A_8 : vector<1000x64xf32>
    %get3A_9 = arith.constant 0 : index
    %get3A_10 = arith.constant 0 : index
    %get3A_11 = arith.constant 0 : index
    %get3A_12 = vector.load %arg2[%get3A_9, %get3A_10, %get3A_11] : memref<2x1000x16xf32, #tpu.memory_space<vmem>>, vector<1x1000x16xf32>
    %get3A_13 = vector.shape_cast %get3A_12 : vector<1x1000x16xf32> to vector<1000x16xf32>
    %get3A_14 = arith.constant 1 : index
    %get3A_15 = arith.constant 0 : index
    %get3A_16 = arith.constant 0 : index
    %get3A_17 = vector.load %arg2[%get3A_14, %get3A_15, %get3A_16] : memref<2x1000x16xf32, #tpu.memory_space<vmem>>, vector<1x1000x16xf32>
    %get3A_18 = vector.shape_cast %get3A_17 : vector<1x1000x16xf32> to vector<1000x16xf32>
    %add3A_19 = arith.addf %get3A_13, %get3A_18 : vector<1000x16xf32>
    %slice3A = vector.extract_strided_slice %add3A_19 {offsets = [0, 0], sizes = [1000, 1], strides = [1, 1]} : vector<1000x16xf32> to vector<1000x1xf32>
    %max3A = arith.constant 1.000000e+00 : f32
    %max3A_20 = vector.broadcast %max3A : f32 to vector<1000x1xf32>
    %max3A_21 = arith.maximumf %slice3A, %max3A_20 : vector<1000x1xf32>
    %div3A = vector.broadcast %max3A_21 : vector<1000x1xf32> to vector<1000x64xf32>
    %div3A_22 = arith.divf %add3A, %div3A : vector<1000x64xf32>
    %get3A_23 = arith.constant 0 : index
    %get3A_24 = arith.constant 0 : index
    %get3A_25 = vector.load %arg4[%get3A_23, %get3A_24] : memref<1x64xf32, #tpu.memory_space<vmem>>, vector<1x64xf32>
    %add3A_26 = vector.broadcast %get3A_25 : vector<1x64xf32> to vector<1000x64xf32>
    %add3A_27 = arith.addf %div3A_22, %add3A_26 : vector<1000x64xf32>
    %get3A_28 = arith.constant 0 : index
    %get3A_29 = arith.constant 0 : index
    %get3A_30 = vector.load %arg3[%get3A_28, %get3A_29] : memref<1000x64xf32, #tpu.memory_space<vmem>>, vector<1000x64xf32>
    %add3A_31 = arith.addf %add3A_27, %get3A_30 : vector<1000x64xf32>
    %logistic3A = arith.negf %add3A_31 : vector<1000x64xf32>
    %logistic3A_32 = math.exp %logistic3A : vector<1000x64xf32>
    %logistic3A_33 = arith.constant 1.000000e+00 : f32
    %logistic3A_34 = vector.broadcast %logistic3A_33 : f32 to vector<1000x64xf32>
    %logistic3A_35 = arith.addf %logistic3A_34, %logistic3A_32 : vector<1000x64xf32>
    %logistic3A_36 = arith.divf %logistic3A_34, %logistic3A_35 : vector<1000x64xf32>
    %get3A_37 = arith.constant 0 : index
    %get3A_38 = arith.constant 0 : index
    %get3A_39 = vector.load %arg5[%get3A_37, %get3A_38] : memref<64x64xf32, #tpu.memory_space<vmem>>, vector<64x64xf32>
    %dot_general3A = arith.constant dense<0.000000e+00> : vector<1000x64xf32>
    %dot_general3A_40 = tpu.matmul %logistic3A_36, %get3A_39, %dot_general3A {dimension_numbers = #tpu.dot_dimension_numbers<[1], [0], [0], [1], [0, 0, 1, 1], [], []>, transpose_lhs_hint = false} : vector<1000x64xf32>, vector<64x64xf32>, vector<1000x64xf32> -> vector<1000x64xf32>
    %swap3A = arith.constant 0 : index
    %swap3A_41 = arith.constant 0 : index
    %swap3A_42 = vector.load %arg7[%swap3A, %swap3A_41] : memref<1000x64xf32, #tpu.memory_space<vmem>>, vector<1000x64xf32>
    tpu.vector_store %arg7[%swap3A, %swap3A_41], %dot_general3A_40 {strides = array<i32>} : memref<1000x64xf32, #tpu.memory_space<vmem>>, vector<1000x64xf32>,
    %get3A_43 = arith.constant 0 : index
    %get3A_44 = arith.constant 0 : index
    %get3A_45 = vector.load %arg6[%get3A_43, %get3A_44] : memref<64x64xf32, #tpu.memory_space<vmem>>, vector<64x64xf32>
    %dot_general3A_46 = arith.constant dense<0.000000e+00> : vector<1000x64xf32>
    %dot_general3A_47 = tpu.matmul %logistic3A_36, %get3A_45, %dot_general3A_46 {dimension_numbers = #tpu.dot_dimension_numbers<[1], [0], [0], [1], [0, 0, 1, 1], [], []>, transpose_lhs_hint = false} : vector<1000x64xf32>, vector<64x64xf32>, vector<1000x64xf32> -> vector<1000x64xf32>
    %swap3A_48 = arith.constant 0 : index
    %swap3A_49 = arith.constant 0 : index
    %swap3A_50 = vector.load %arg8[%swap3A_48, %swap3A_49] : memref<1000x64xf32, #tpu.memory_space<vmem>>, vector<1000x64xf32>
    tpu.vector_store %arg8[%swap3A_48, %swap3A_49], %dot_general3A_47 {strides = array<i32>} : memref<1000x64xf32, #tpu.memory_space<vmem>>, vector<1000x64xf32>,
    return
  }
  func.func @transform_0(%arg0: i32) -> (i32, i32, i32) {
    %c0_i32 = arith.constant 0 : i32
    %c0_i32_0 = arith.constant 0 : i32
    %c0_i32_1 = arith.constant 0 : i32
    return %c0_i32, %arg0, %c0_i32_0 : i32, i32, i32
  }
  func.func @transform_1(%arg0: i32) -> (i32, i32, i32) {
    %c0_i32 = arith.constant 0 : i32
    %c0_i32_0 = arith.constant 0 : i32
    %c0_i32_1 = arith.constant 0 : i32
    return %c0_i32, %arg0, %c0_i32_0 : i32, i32, i32
  }
  func.func @transform_2(%arg0: i32) -> (i32, i32) {
    %c0_i32 = arith.constant 0 : i32
    %c0_i32_0 = arith.constant 0 : i32
    return %arg0, %c0_i32 : i32, i32
  }
  func.func @transform_3(%arg0: i32) -> (i32, i32) {
    %c0_i32 = arith.constant 0 : i32
    %c0_i32_0 = arith.constant 0 : i32
    %c0_i32_1 = arith.constant 0 : i32
    return %c0_i32, %c0_i32_0 : i32, i32
  }
  func.func @transform_4(%arg0: i32) -> (i32, i32) {
    %c0_i32 = arith.constant 0 : i32
    %c0_i32_0 = arith.constant 0 : i32
    %c0_i32_1 = arith.constant 0 : i32
    return %c0_i32, %c0_i32_0 : i32, i32
  }
  func.func @transform_5(%arg0: i32) -> (i32, i32) {
    %c0_i32 = arith.constant 0 : i32
    %c0_i32_0 = arith.constant 0 : i32
    %c0_i32_1 = arith.constant 0 : i32
    return %c0_i32, %c0_i32_0 : i32, i32
  }
  func.func @transform_6(%arg0: i32) -> (i32, i32) {
    %c0_i32 = arith.constant 0 : i32
    %c0_i32_0 = arith.constant 0 : i32
    return %arg0, %c0_i32 : i32, i32
  }
  func.func @transform_7(%arg0: i32) -> (i32, i32) {
    %c0_i32 = arith.constant 0 : i32
    %c0_i32_0 = arith.constant 0 : i32
    return %arg0, %c0_i32 : i32, i32
  }
}

module attributes {stable_mosaic.version = 14 : i64} {
  func.func @_fin_body(%arg0: i32, %arg1: memref<2x1000x64xf32, #tpu.memory_space<vmem>>, %arg2: memref<2x1000x16xf32, #tpu.memory_space<vmem>>, %arg3: memref<1000x64xf32, #tpu.memory_space<vmem>>, %arg4: memref<1x64xf32, #tpu.memory_space<vmem>>, %arg5: memref<64x64xf32, #tpu.memory_space<vmem>>, %arg6: memref<1x64xf32, #tpu.memory_space<vmem>>, %arg7: memref<64x2xf32, #tpu.memory_space<vmem>>, %arg8: memref<1x2xf32, #tpu.memory_space<vmem>>, %arg9: memref<1000x2xf32, #tpu.memory_space<vmem>>) attributes {dimension_semantics = [#tpu.dimension_semantics<arbitrary>], iteration_bounds = array<i64: 10>, scalar_prefetch = 0 : i64, scratch_operands = 0 : i64, tpu.core_type = #tpu.core_type<tc>, window_params = [{transform_indices = @transform_0, window_bounds = array<i64: 2, 1000, 64>}, {transform_indices = @transform_1, window_bounds = array<i64: 2, 1000, 16>}, {transform_indices = @transform_2, window_bounds = array<i64: 1000, 64>}, {pipeline_mode = #tpu.pipeline_mode<synchronous>, transform_indices = @transform_3, window_bounds = array<i64: 1, 64>}, {pipeline_mode = #tpu.pipeline_mode<synchronous>, transform_indices = @transform_4, window_bounds = array<i64: 64, 64>}, {pipeline_mode = #tpu.pipeline_mode<synchronous>, transform_indices = @transform_5, window_bounds = array<i64: 1, 64>}, {pipeline_mode = #tpu.pipeline_mode<synchronous>, transform_indices = @transform_6, window_bounds = array<i64: 64, 2>}, {pipeline_mode = #tpu.pipeline_mode<synchronous>, transform_indices = @transform_7, window_bounds = array<i64: 1, 2>}, {transform_indices = @transform_8, window_bounds = array<i64: 1000, 2>}]} {
    %get3A = arith.constant 0 : index
    %get3A_0 = arith.constant 0 : index
    %get3A_1 = arith.constant 0 : index
    %get3A_2 = vector.load %arg1[%get3A, %get3A_0, %get3A_1] : memref<2x1000x64xf32, #tpu.memory_space<vmem>>, vector<1x1000x64xf32>
    %get3A_3 = vector.shape_cast %get3A_2 : vector<1x1000x64xf32> to vector<1000x64xf32>
    %get3A_4 = arith.constant 1 : index
    %get3A_5 = arith.constant 0 : index
    %get3A_6 = arith.constant 0 : index
    %get3A_7 = vector.load %arg1[%get3A_4, %get3A_5, %get3A_6] : memref<2x1000x64xf32, #tpu.memory_space<vmem>>, vector<1x1000x64xf32>
    %get3A_8 = vector.shape_cast %get3A_7 : vector<1x1000x64xf32> to vector<1000x64xf32>
    %add3A = arith.addf %get3A_3, %get3A_8 : vector<1000x64xf32>
    %get3A_9 = arith.constant 0 : index
    %get3A_10 = arith.constant 0 : index
    %get3A_11 = arith.constant 0 : index
    %get3A_12 = vector.load %arg2[%get3A_9, %get3A_10, %get3A_11] : memref<2x1000x16xf32, #tpu.memory_space<vmem>>, vector<1x1000x16xf32>
    %get3A_13 = vector.shape_cast %get3A_12 : vector<1x1000x16xf32> to vector<1000x16xf32>
    %get3A_14 = arith.constant 1 : index
    %get3A_15 = arith.constant 0 : index
    %get3A_16 = arith.constant 0 : index
    %get3A_17 = vector.load %arg2[%get3A_14, %get3A_15, %get3A_16] : memref<2x1000x16xf32, #tpu.memory_space<vmem>>, vector<1x1000x16xf32>
    %get3A_18 = vector.shape_cast %get3A_17 : vector<1x1000x16xf32> to vector<1000x16xf32>
    %add3A_19 = arith.addf %get3A_13, %get3A_18 : vector<1000x16xf32>
    %slice3A = vector.extract_strided_slice %add3A_19 {offsets = [0, 0], sizes = [1000, 1], strides = [1, 1]} : vector<1000x16xf32> to vector<1000x1xf32>
    %max3A = arith.constant 1.000000e+00 : f32
    %max3A_20 = vector.broadcast %max3A : f32 to vector<1000x1xf32>
    %max3A_21 = arith.maximumf %slice3A, %max3A_20 : vector<1000x1xf32>
    %div3A = vector.broadcast %max3A_21 : vector<1000x1xf32> to vector<1000x64xf32>
    %div3A_22 = arith.divf %add3A, %div3A : vector<1000x64xf32>
    %get3A_23 = arith.constant 0 : index
    %get3A_24 = arith.constant 0 : index
    %get3A_25 = vector.load %arg4[%get3A_23, %get3A_24] : memref<1x64xf32, #tpu.memory_space<vmem>>, vector<1x64xf32>
    %add3A_26 = vector.broadcast %get3A_25 : vector<1x64xf32> to vector<1000x64xf32>
    %add3A_27 = arith.addf %div3A_22, %add3A_26 : vector<1000x64xf32>
    %get3A_28 = arith.constant 0 : index
    %get3A_29 = arith.constant 0 : index
    %get3A_30 = vector.load %arg3[%get3A_28, %get3A_29] : memref<1000x64xf32, #tpu.memory_space<vmem>>, vector<1000x64xf32>
    %add3A_31 = arith.addf %add3A_27, %get3A_30 : vector<1000x64xf32>
    %logistic3A = arith.negf %add3A_31 : vector<1000x64xf32>
    %logistic3A_32 = math.exp %logistic3A : vector<1000x64xf32>
    %logistic3A_33 = arith.constant 1.000000e+00 : f32
    %logistic3A_34 = vector.broadcast %logistic3A_33 : f32 to vector<1000x64xf32>
    %logistic3A_35 = arith.addf %logistic3A_34, %logistic3A_32 : vector<1000x64xf32>
    %logistic3A_36 = arith.divf %logistic3A_34, %logistic3A_35 : vector<1000x64xf32>
    %get3A_37 = arith.constant 0 : index
    %get3A_38 = arith.constant 0 : index
    %get3A_39 = vector.load %arg5[%get3A_37, %get3A_38] : memref<64x64xf32, #tpu.memory_space<vmem>>, vector<64x64xf32>
    %dot_general3A = arith.constant dense<0.000000e+00> : vector<1000x64xf32>
    %dot_general3A_40 = tpu.matmul %logistic3A_36, %get3A_39, %dot_general3A {dimension_numbers = #tpu.dot_dimension_numbers<[1], [0], [0], [1], [0, 0, 1, 1], [], []>, transpose_lhs_hint = false} : vector<1000x64xf32>, vector<64x64xf32>, vector<1000x64xf32> -> vector<1000x64xf32>
    %get3A_41 = arith.constant 0 : index
    %get3A_42 = arith.constant 0 : index
    %get3A_43 = vector.load %arg6[%get3A_41, %get3A_42] : memref<1x64xf32, #tpu.memory_space<vmem>>, vector<1x64xf32>
    %add3A_44 = vector.broadcast %get3A_43 : vector<1x64xf32> to vector<1000x64xf32>
    %add3A_45 = arith.addf %dot_general3A_40, %add3A_44 : vector<1000x64xf32>
    %logistic3A_46 = arith.negf %add3A_45 : vector<1000x64xf32>
    %logistic3A_47 = math.exp %logistic3A_46 : vector<1000x64xf32>
    %logistic3A_48 = arith.constant 1.000000e+00 : f32
    %logistic3A_49 = vector.broadcast %logistic3A_48 : f32 to vector<1000x64xf32>
    %logistic3A_50 = arith.addf %logistic3A_49, %logistic3A_47 : vector<1000x64xf32>
    %logistic3A_51 = arith.divf %logistic3A_49, %logistic3A_50 : vector<1000x64xf32>
    %get3A_52 = arith.constant 0 : index
    %get3A_53 = arith.constant 0 : index
    %get3A_54 = vector.load %arg7[%get3A_52, %get3A_53] : memref<64x2xf32, #tpu.memory_space<vmem>>, vector<64x2xf32>
    %dot_general3A_55 = arith.constant dense<0.000000e+00> : vector<1000x2xf32>
    %dot_general3A_56 = tpu.matmul %logistic3A_51, %get3A_54, %dot_general3A_55 {dimension_numbers = #tpu.dot_dimension_numbers<[1], [0], [0], [1], [0, 0, 1, 1], [], []>, transpose_lhs_hint = false} : vector<1000x64xf32>, vector<64x2xf32>, vector<1000x2xf32> -> vector<1000x2xf32>
    %get3A_57 = arith.constant 0 : index
    %get3A_58 = arith.constant 0 : index
    %get3A_59 = vector.load %arg8[%get3A_57, %get3A_58] : memref<1x2xf32, #tpu.memory_space<vmem>>, vector<1x2xf32>
    %add3A_60 = vector.broadcast %get3A_59 : vector<1x2xf32> to vector<1000x2xf32>
    %add3A_61 = arith.addf %dot_general3A_56, %add3A_60 : vector<1000x2xf32>
    %reduce_max3A = arith.constant dense<0xFF800000> : vector<1000xf32>
    %reduce_max3A_62 = vector.multi_reduction <maximumf>, %add3A_61, %reduce_max3A [1] : vector<1000x2xf32> to vector<1000xf32>
    %broadcast_in_dim3A = vector.shape_cast %reduce_max3A_62 : vector<1000xf32> to vector<1000x1xf32>
    %sub3A = vector.broadcast %broadcast_in_dim3A : vector<1000x1xf32> to vector<1000x2xf32>
    %sub3A_63 = arith.subf %add3A_61, %sub3A : vector<1000x2xf32>
    %exp3A = math.exp %sub3A_63 : vector<1000x2xf32>
    %reduce_sum3A = arith.constant dense<0.000000e+00> : vector<1000xf32>
    %reduce_sum3A_64 = vector.multi_reduction <add>, %exp3A, %reduce_sum3A [1] : vector<1000x2xf32> to vector<1000xf32>
    %broadcast_in_dim3A_65 = vector.shape_cast %reduce_sum3A_64 : vector<1000xf32> to vector<1000x1xf32>
    %div3A_66 = vector.broadcast %broadcast_in_dim3A_65 : vector<1000x1xf32> to vector<1000x2xf32>
    %div3A_67 = arith.divf %exp3A, %div3A_66 : vector<1000x2xf32>
    %swap3A = arith.constant 0 : index
    %swap3A_68 = arith.constant 0 : index
    %swap3A_69 = vector.load %arg9[%swap3A, %swap3A_68] : memref<1000x2xf32, #tpu.memory_space<vmem>>, vector<1000x2xf32>
    tpu.vector_store %arg9[%swap3A, %swap3A_68], %div3A_67 {strides = array<i32>} : memref<1000x2xf32, #tpu.memory_space<vmem>>, vector<1000x2xf32>,
    return
  }
  func.func @transform_0(%arg0: i32) -> (i32, i32, i32) {
    %c0_i32 = arith.constant 0 : i32
    %c0_i32_0 = arith.constant 0 : i32
    %c0_i32_1 = arith.constant 0 : i32
    return %c0_i32, %arg0, %c0_i32_0 : i32, i32, i32
  }
  func.func @transform_1(%arg0: i32) -> (i32, i32, i32) {
    %c0_i32 = arith.constant 0 : i32
    %c0_i32_0 = arith.constant 0 : i32
    %c0_i32_1 = arith.constant 0 : i32
    return %c0_i32, %arg0, %c0_i32_0 : i32, i32, i32
  }
  func.func @transform_2(%arg0: i32) -> (i32, i32) {
    %c0_i32 = arith.constant 0 : i32
    %c0_i32_0 = arith.constant 0 : i32
    return %arg0, %c0_i32 : i32, i32
  }
  func.func @transform_3(%arg0: i32) -> (i32, i32) {
    %c0_i32 = arith.constant 0 : i32
    %c0_i32_0 = arith.constant 0 : i32
    %c0_i32_1 = arith.constant 0 : i32
    return %c0_i32, %c0_i32_0 : i32, i32
  }
  func.func @transform_4(%arg0: i32) -> (i32, i32) {
    %c0_i32 = arith.constant 0 : i32
    %c0_i32_0 = arith.constant 0 : i32
    %c0_i32_1 = arith.constant 0 : i32
    return %c0_i32, %c0_i32_0 : i32, i32
  }
  func.func @transform_5(%arg0: i32) -> (i32, i32) {
    %c0_i32 = arith.constant 0 : i32
    %c0_i32_0 = arith.constant 0 : i32
    %c0_i32_1 = arith.constant 0 : i32
    return %c0_i32, %c0_i32_0 : i32, i32
  }
  func.func @transform_6(%arg0: i32) -> (i32, i32) {
    %c0_i32 = arith.constant 0 : i32
    %c0_i32_0 = arith.constant 0 : i32
    %c0_i32_1 = arith.constant 0 : i32
    return %c0_i32, %c0_i32_0 : i32, i32
  }
  func.func @transform_7(%arg0: i32) -> (i32, i32) {
    %c0_i32 = arith.constant 0 : i32
    %c0_i32_0 = arith.constant 0 : i32
    %c0_i32_1 = arith.constant 0 : i32
    return %c0_i32, %c0_i32_0 : i32, i32
  }
  func.func @transform_8(%arg0: i32) -> (i32, i32) {
    %c0_i32 = arith.constant 0 : i32
    %c0_i32_0 = arith.constant 0 : i32
    return %arg0, %c0_i32 : i32, i32
  }
}

</mosaic_0001>

<sc_bundles>
// kernel: kernel.10.cloned.1.call-start
scs
__scs_entry_jumppad:
0x0: {  	(pc) =	sbr.rel $0x88, $3  }
0x1: {  	(tag) =	ssettag $0x0;
	lr =	simm.s32 $0x1  }
0x2: {  	[smem:$0x3F95] =	sst lr;
	_ =	strace $0xD0000000  }
0x3: {  	_ = 	snop  }
0x4: {  	_ = 	snop  }
0x5: {  	_ = 	snop  }
0x6: {  	_ = 	snop  }
0x7: {  	_ = 	snop  }
__scs_overlays_trampoline_lowered:
0x8: {  	[smem:$0x3FA4] =	sst s0  }
0x9: {  	[smem:$0x3FA5] =	sst s1  }
0xa: {  	[smem:$0x3FA6] =	sst s2  }
0xb: {  	[smem:$0x3FA7] =	sst s3  }
0xc: {  	[smem:$0x3FA8] =	sst s4  }
0xd: {  	[smem:$0x3FA9] =	sst s5  }
0xe: {  	[smem:$0x3FAA] =	sst s6  }
0xf: {  	[smem:$0x3FAB] =	sst s7  }
0x10: {  	[smem:$0x3FAC] =	sst s8  }
0x11: {  	[smem:$0x3FAD] =	sst s9;
	s0 =	simm.s32 @!p0 $0x0  }
0x12: {  	s1 =	sld [smem:$0x3F93];
	s0 =	simm.s32 @p0 $0x1  }
0x13: {  	[smem:$0x3FAE] =	sst s0;
	s0 =	simm.s32 @!p1 $0x0  }
0x14: {  	s2 =	sld [smem:$0x3F92];
	s0 =	simm.s32 @p1 $0x1  }
0x15: {  	[smem:$0x3FAF] =	sst s0;
	s0 =	simm.s32 @!p2 $0x0  }
0x16: {  	s3 =	sld [smem:$0x3FDB];
	s0 =	simm.s32 @p2 $0x1  }
0x17: {  	s4 =	simm.s32 $0x1BF5;
	[smem:$0x3FB1] =	sst s0  }
0x18: {  	s0 =	sld [smem:$0x3F94];
	_ =	swait.ge [sflag:s4], $0x0  }
0x19: {  	s7 =	sld [smem:$0x3F95]  }
0x1a: {  	s8 =	sadd.s32 $0xFFFFE003, lr  }
0x1b: {  	s9 =	sadd.s32 $0xFFFFFEF7, lr;
	s5 =	simm.s32 $0xFFFFFFFF;
	p2 =	slt.u32 s8, $0xFFFFF086  }
0x1c: {  	p1 =	slt.u32 s9, $0xF7A;
	s5 =	simm.s32 @!p2 $0x0  }
0x1d: {  	s5 =	simm.s32 @p1 $0x1;
	p0 =	seq.s32 s7, s2  }
0x1e: {  	s7 =	smul.u32 @!p0 $0xF7A, s2;
	p2 =	seq.s32 @!p0 s5, $0x0  }
0x1f: {  	s9 =	smul.u32 $0xF7A, s1;
	s8 =	simm.s32 @!p0 $0x1BF5;
	p2 =	por !p2, p0  }
0x20: {  	[sflag:s8] =	ssyncset.s32 @!p0 $0xFFFFF086;
	s6 =	sadd.s32 @!p0 s3, s7;
	s7 =	simm.s32 @!p0 $0x108  }
0x21: {  	s3 =	sadd.s32 s3, s9;
	s6 =	sadd.s32 @!p0 $0x88, s6;
	s7 =	simm.s32 @p2 $0x1082  }
0x22: {  	[simem:s7], [sflag:s8] =	dma.local @!p0 [hbm:s6], $0xF7A  }
0x23: {  	s9 =	sor.u32 $0xD0000000, s2;
	s6 =	simm.s32 $0x108;
	_ =	swait.ge @!p0 [sflag:s8], $0x0  }
0x24: {  	s3 =	sadd.s32 $0x88, s3;
	s6 =	simm.s32 @!p1 $0x1082;
	[sflag:s4] =	ssyncset.s32 $0xFFFFF086  }
0x25: {  	[simem:s6], [sflag:s4] =	dma.local [hbm:s3], $0xF7A  }
0x26: {  	[smem:$0x3F95] =	sst s1;
	(tag) =	ssettag s2;
	_ =	strace s9  }
0x27: {  	s1 =	sld [smem:$0x3FA5]  }
0x28: {  	s2 =	sld [smem:$0x3FA6]  }
0x29: {  	s4 =	sld [smem:$0x3FA8]  }
0x2a: {  	p0 =	seq.s32 s5, $0x0;
	s5 =	sld [smem:$0x3FA9]  }
0x2b: {  	s6 =	sld [smem:$0x3FAA]  }
0x2c: {  	s7 =	sld [smem:$0x3FAB]  }
0x2d: {  	s3 =	simm.s32 $0x108;
	s8 =	sld [smem:$0x3FAC]  }
0x2e: {  	s3 =	simm.s32 @!p0 $0x1082;
	s9 =	sld [smem:$0x3FAD]  }
0x2f: {  	lr =	sadd.s32 s0, s3;
	s0 =	sld [smem:$0x3FA4]  }
0x30: {  	s3 =	sld [smem:$0x3FA7]  }
0x31: {  	[smem:$0x3FB0] =	sst s10  }
0x32: {  	s10 =	sld [smem:$0x3FAE];
	_ =	sdelay $0x3  }
0x33: {  	p0 =	seq.s32 s10, $0x1;
	s10 =	sld [smem:$0x3FB0];
	_ =	sdelay $0x3  }
0x34: {  	[smem:$0x3FB0] =	sst s10  }
0x35: {  	s10 =	sld [smem:$0x3FAF];
	_ =	sdelay $0x3  }
0x36: {  	p1 =	seq.s32 s10, $0x1;
	s10 =	sld [smem:$0x3FB0];
	_ =	sdelay $0x3  }
0x37: {  	[smem:$0x3FB0] =	sst s10  }
0x38: {  	s10 =	sld [smem:$0x3FB1]  }
0x39: {  	_ = 	snop;
	(pc) =	sbr.ind lr, $3  }
0x3a: {  	_ = 	snop  }
0x3b: {  	_ = 	snop  }
0x3c: {  	p2 =	seq.s32 s10, $0x1;
	s10 =	sld [smem:$0x3FB0]  }
0x3d: {  	_ =	shalt  }
0x3e: {  	_ =	shalt  }
0x3f: {  	_ =	shalt  }
0x40: {  	_ =	shalt  }
0x41: {  	_ =	shalt  }
0x42: {  	_ =	shalt  }
0x43: {  	_ =	shalt  }
0x44: {  	_ =	shalt  }
0x45: {  	_ =	shalt  }
0x46: {  	_ =	shalt  }
0x47: {  	_ =	shalt  }
0x48: {  	_ =	shalt  }
0x49: {  	_ =	shalt  }
0x4a: {  	_ =	shalt  }
0x4b: {  	_ =	shalt  }
0x4c: {  	_ =	shalt  }
0x4d: {  	_ =	shalt  }
0x4e: {  	_ =	shalt  }
0x4f: {  	_ =	shalt  }
0x50: {  	_ =	shalt  }
0x51: {  	_ =	shalt  }
0x52: {  	_ =	shalt  }
0x53: {  	_ =	shalt  }
0x54: {  	_ =	shalt  }
0x55: {  	_ =	shalt  }
0x56: {  	_ =	shalt  }
0x57: {  	_ =	shalt  }
0x58: {  	_ =	shalt  }
0x59: {  	_ =	shalt  }
0x5a: {  	_ =	shalt  }
0x5b: {  	_ =	shalt  }
0x5c: {  	_ =	shalt  }
0x5d: {  	_ =	shalt  }
0x5e: {  	_ =	shalt  }
0x5f: {  	_ =	shalt  }
0x60: {  	_ =	shalt  }
0x61: {  	_ =	shalt  }
0x62: {  	_ =	shalt  }
0x63: {  	_ =	shalt  }
0x64: {  	_ =	shalt  }
0x65: {  	_ =	shalt  }
0x66: {  	_ =	shalt  }
0x67: {  	_ =	shalt  }
0x68: {  	_ =	shalt  }
0x69: {  	_ =	shalt  }
0x6a: {  	_ =	shalt  }
0x6b: {  	_ =	shalt  }
0x6c: {  	_ =	shalt  }
0x6d: {  	_ =	shalt  }
0x6e: {  	_ =	shalt  }
0x6f: {  	_ =	shalt  }
0x70: {  	_ =	shalt  }
0x71: {  	_ =	shalt  }
0x72: {  	_ =	shalt  }
0x73: {  	_ =	shalt  }
0x74: {  	_ =	shalt  }
0x75: {  	_ =	shalt  }
0x76: {  	_ =	shalt  }
0x77: {  	_ =	shalt  }
0x78: {  	_ =	shalt  }
0x79: {  	_ =	shalt  }
0x7a: {  	_ =	shalt  }
0x7b: {  	_ =	shalt  }
0x7c: {  	_ =	shalt  }
0x7d: {  	_ =	shalt  }
0x7e: {  	_ =	shalt  }
0x7f: {  	_ =	shalt  }
0x80: {  	_ =	shalt  }
0x81: {  	_ =	shalt  }
0x82: {  	_ =	shalt  }
0x83: {  	_ =	shalt  }
0x84: {  	_ =	shalt  }
0x85: {  	_ =	shalt  }
0x86: {  	_ =	shalt  }
0x87: {  	_ =	shalt  }
.Lfunc_end0:
.L_simem_size_0:
called_computation.1_lowered:
.L_overlay_start_0:
0x88: {  	s2 =	sld [smem:$0x3FD9]  }
0x89: {  	s3 =	sld [smem:$0x3FFE];
	_ =	sdelay $0x1  }
0x8a: {  	s1 =	srdreg.scid  }
0x8b: {  	s0 =	sand.u32 $0x1, s1  }
0x8c: {  	s16 =	sshll.u32 s0, $0xA;
	s2 =	sadd.s32 s3, s2  }
0x8d: {  	s2 =	sadd.s32 s2, s16  }
0x8e: {  	[smem:$0x3FBC] =	sst s2  }
0x8f: {  	_ = 	snop  }
0x90: {  	(tm) =	ssettm $0x1  }
0x91: {  	s17 =	sld [smem:$0x3FFB];
	_ =	sdelay $0x3  }
0x92: {  	_ =	strace s17  }
0x93: {  	s2 =	sld [smem:$0x3FFC];
	_ =	sdelay $0x3  }
0x94: {  	_ =	strace s2  }
0x95: {  	s2 =	sld [smem:$0x3FFD];
	_ =	sdelay $0x3  }
0x96: {  	_ =	strace s2  }
0x97: {  	_ =	strace $0x8FFFFFFF  }
0x98: {  	s18 =	sld [smem:$0x3FDB];
	_ =	sdelay $0x1  }
0x99: {  	s19 =	simm.s32 $_scs_section_size  }
0x9a: {  	s4 =	simm.s32 $_size__tile_overlayer_lowered;
	s5 =	simm.s32 $_tile_overlayer_lowered  }
0x9b: {  	s22 =	simm.s32 $0x1BFF;
	s21 =	sshll.u32 s5, $0x1;
	s2 =	sadd.s32 s19, s18  }
0x9c: {  	s6 =	simm.s32 $0x0;
	s20 =	sshll.u32 s4, $0x1;
	s4 =	sadd.s32 s21, s2  }
0x9d: {  	[timem:s6], [sflag:s22] =	dma.local [hbm:s4], s20  }
0x9e: {  	_ =	swait.ge [sflag:s22], s20  }
0x9f: {  	s3 =	ssub.s32 $0x0, s20;
	[sflag:s22] =	ssyncset.done $0x0  }
0xa0: {  	[sflag:s22] =	ssyncadd.s32 s3;
	_ =	sdelay $0x1  }
0xa1: {  	s23 =	simm.s32 $0x1B8B  }
0xa2: {  	_ =	swait.ge [sflag:s23], $0x1  }
0xa3: {  	[sflag:s23] =	ssyncset.done $0x0  }
0xa4: {  	s25 =	simm.s32 $0x1B8E;
	s24 =	sld [smem:$0x3FFE];
	[sflag:s23] =	ssyncadd.s32 $0xFFFFFFFF  }
0xa5: {  	s26 =	simm.s32 $execute0_lowered;
	[smem:$0x3FD2] =	sst s25  }
0xa6: {  	s4 =	sshll.u32 s26, $0x1;
	_ =	strace $0x80000049;
	[dreg:$0x1] =	wrdreg $0xFFFFFFFF  }
0xa7: {  	s28 =	simm.s32 $_size_execute0_lowered;
	s2 =	sadd.s32 s2, s4;
	[dreg:$0x0] =	wrdreg $0x0  }
0xa8: {  	s4 =	sshll.u32 s28, $0x1;
	[dreg:$0x2] =	wrdreg s2  }
0xa9: {  	[dreg:$0x3] =	wrdreg s4  }
0xaa: {  	[dreg:$0x4] =	wrdreg $0xC0  }
0xab: {  	_ =	task [dreg:s6], $0x5FFFF  }
0xac: {  	[dreg:$0x1] =	wrdreg $0xFFFFFFFF  }
0xad: {  	[dreg:$0x0] =	wrdreg $0x60  }
0xae: {  	[dreg:$0x2] =	wrdreg s24  }
0xaf: {  	[dreg:$0x3] =	wrdreg $0x94000  }
0xb0: {  	[dreg:$0x4] =	wrdreg $0x9  }
0xb1: {  	_ =	task.clear_ibuf [dreg:s6], $0x5FFFF;
	_ =	strace $0x90000049  }
0xb2: {  	s29 =	simm.s32 $0x9;
	_ =	strace $0x8000004B  }
0xb3: {  	_ =	swait.ge [sflag:s29], $0x1  }
0xb4: {  	[sflag:s29] =	ssyncadd.s32 $0xFFFFFFFF  }
0xb5: {  	_ =	strace $0x9000004B  }
0xb6: {  	_ =	sfence  }
0xb7: {  	s30 =	sld [smem:$0x0];
	_ =	sdelay $0x2  }
0xb8: {  	s31 =	sshll.u32 s1, $0xD;
	s1 =	sshrl.u32 s1, $0x2  }
0xb9: {  	s3 =	sand.u32 $0x4000, s31;
	s1 =	sadd.s32 s1, s30  }
0xba: {  	s0 =	sor.u32 s3, s0;
	s1 =	sshll.u32 s1, $0x11  }
0xbb: {  	s0 =	sor.u32 s1, s0  }
0xbc: {  	s0 =	sadd.s32 $0x8F2B, s0  }
0xbd: {  	[sflag:s0] =	ssyncadd.remote.s32 $0x1  }
0xbe: {  	_ =	sfence.sel $0xFFFF  }
0xbf: {  	[dreg:$0x0] =	wrdreg $0xFFFFFFFF;
	(pc) =	sbr.abs _section_cstart, $3  }
0xc0: {  	[dreg:$0x1] =	wrdreg $0xFFFFFFFF  }
0xc1: {  	_ =	task.clear_ibuf [dreg:s6], $0x2FFFF;
	_ =	strace $0x9FFFFFFF  }
0xc2: {  	(tm) =	ssettm $0x7FFFFFFF  }
0xc3: {  	_ =	shalt  }
tec
execute0_lowered:
.L_overlay_start_1:
0x0: {  	(tag) =	ssettag $0x1  }
0x1: {  	s1 =	rddreg [dreg:$0x0];
	s3 =	srdreg.scid  }
0x2: {  	s0 =	stileid.u32;
	s2 =	rddreg [dreg:$0x1];
	s20 =	simm.s32 $0x3  }
0x3: {  	s22 =	simm.s32 $0x80;
	s23 =	simm.s32 $0x5000;
	s28 =	simm.s32 $0x4F00  }
0x4: {  	s29 =	simm.s32 $0x4F80;
	s30 =	simm.s32 $0x0;
	s8 =	smul.u32 $0x28000, s0  }
0x5: {  	s5 =	sand.u32 $0x1, s3;
	s4 =	sshll.u32 s0, $0x1;
	s15 =	smul.u32 $0xA000, s0  }
0x6: {  	s3 =	simm.s32 $0x0;
	s4 =	sor.u32 s5, s4;
	s16 =	smul.u32 $0xA0000, s5  }
0x7: {  	[smem:$0x7FF] =	sst s3;
	s24 =	ssub.s32 $0x2, s5;
	s6 =	smul.u32 $0x500, s4  }
0x8: {  	_ =	strace $0x8000004A;
	s4 =	sadd.s32 $0x1E00, s1;
	s9 =	sshrl.u32 s24, $0x1  }
0x9: {  	s25 =	sshrl.u32 s8, $0x2;
	s8 =	sadd.s32 s15, s2;
	s11 =	sadd.s32 $0x2000, s15  }
0xa: {  	s13 =	sadd.s32 $0x4000, s15;
	s17 =	sadd.s32 $0x6000, s15;
	s19 =	sadd.s32 $0x8000, s15  }
0xb: {  	s9 =	ssub.s32 s24, s9;
	s5 =	sadd.s32 s25, s2;
	s10 =	sadd.s32 s16, s15  }
0xc: {  	s12 =	sadd.s32 s16, s11;
	s11 =	sadd.s32 s11, s2;
	s14 =	sadd.s32 s16, s13  }
0xd: {  	s13 =	sadd.s32 s13, s2;
	s18 =	sadd.s32 s16, s17;
	s15 =	sadd.s32 s17, s2  }
0xe: {  	s31 =	sadd.s32 s16, s19;
	s17 =	sadd.s32 s19, s2;
	s19 =	simm.s32 $0x9000  }
0xf: {  	s24 =	simm.s32 $0x7000;
	s25 =	simm.s32 $0x1;
	s7 =	sadd.s32 s6, s1  }
0x10: {  	s1 =	sadd.s32 $0x29800, s1;
	s9 =	smax.u32 s9, $0x1;
	s10 =	sshrl.u32 s10, $0x3  }
0x11: {  	s12 =	sshrl.u32 s12, $0x3;
	s14 =	sshrl.u32 s14, $0x3;
	s26 =	sshrl.u32 s18, $0x3  }
0x12: {  	s18 =	sshrl.u32 s31, $0x3;
	s6 =	sadd.s32 $0x1F800, s7;
	s7 =	sadd.s32 $0x15800, s7  }
0x13: {  	s10 =	sadd.s32 s1, s10;
	s12 =	sadd.s32 s1, s12;
	s14 =	sadd.s32 s1, s14  }
0x14: {  	v0 =	vimm.f32 $0.0e+00;
	s16 =	sadd.s32 s1, s26;
	s18 =	sadd.s32 s1, s18;
	s26 =	simm.s32 $0x2  }
.LBB2_1:
0x15: {  	s31 =	simm.s32 $0x0;
	s1 =	simm.s32 $0x0  }
.LBB2_2:
0x16: {  	p0 =	sne.s32 s1, $0xFC0  }
.Ltmp0:
0x17: {  	_ = 	snop;
	(pc) =	sbr.rel @p0 .LBB2_2-.Ltmp0, $4  }
0x18: {  	s0 =	sand.u32 $0xF00, s1  }
0x19: {  	s21 =	sand.u32 $0x30, s31;
	s0 =	sshrl.u32 s0, $0x2  }
0x1a: {  	s0 =	sor.u32 s21, s0  }
0x1b: {  	s31 =	sadd.s32 $0x10, s31;
	s1 =	sadd.s32 $0x40, s1;
	[tilespmem:s0+$0x9000] =	vst v0  }
0x1c: {  	s0 =	sadd.s32 $0x0, s5  }
0x1d: {  	[spmem:s0] =	stream.linear.scatter [tilespmem:s19], [sflag:$0x3], $0x400, $0x38;
	[tilespmem:$0x13400] =	vst v63  }
0x1e: {  	s31 =	simm.s32 $0x1000;
	_ =	swait.ge [sflag:s20], $0x400  }
.LBB2_4:
0x1f: {  	s0 =	sshra.s32 s31, $0x2;
	[sflag:s20] =	ssyncset.done $0x0;
	p0 =	sne.s32 s31, $0x27000  }
.Ltmp1:
0x20: {  	s0 =	sadd.s32 s0, s5;
	[sflag:s20] =	ssyncadd.s32 $0xFFFFFC00;
	(pc) =	sbr.rel @p0 .LBB2_4-.Ltmp1, $3  }
0x21: {  	[spmem:s0] =	stream.linear.scatter [tilespmem:s19], [sflag:$0x3], $0x400, $0x38;
	[tilespmem:$0x13400] =	vst v63  }
0x22: {  	s31 =	sadd.s32 $0x1000, s31;
	_ =	sdelay $0x1  }
0x23: {  	_ =	swait.ge [sflag:s20], $0x400  }
0x24: {  	[sflag:s20] =	ssyncset.done $0x0  }
0x25: {  	s0 =	simm.s32 $0x0;
	[sflag:s20] =	ssyncadd.s32 $0xFFFFFC00  }
0x26: {  	[tilespmem:s0], [sflag:$0x3] =	stream.linear.gather [hbm4b:s6+s0], $0x2800, $0x38;
	[tilespmem:$0x13400] =	vst v63  }
0x27: {  	_ =	swait.ge [sflag:s20], $0x2800  }
0x28: {  	[sflag:s20] =	ssyncset.done $0x0  }
0x29: {  	s1 =	simm.s32 $0x2800;
	[sflag:s20] =	ssyncadd.s32 $0xFFFFD800  }
0x2a: {  	[tilespmem:s1], [sflag:$0x3] =	stream.linear.gather [hbm4b:s7+s0], $0x2800, $0x38;
	[tilespmem:$0x13400] =	vst v63  }
0x2b: {  	_ =	swait.ge [sflag:s20], $0x2800  }
0x2c: {  	[sflag:s20] =	ssyncset.done $0x0  }
0x2d: {  	[sflag:s20] =	ssyncadd.s32 $0xFFFFD800  }
0x2e: {  	[bflag:$0x0] =	sbarrier.arrive $0xFFFF  }
0x2f: {  	[tilespmem:s23], [sflag:$0x1] =	stream.indirect.gather [hbm4b:s4+s22], $0x40, s0, s22, $0xb8;
	[tilespmem:$0x13400] =	vst v63  }
0x30: {  	_ = 	snop  }
0x31: {  	[tilespmem:s24], [sflag:$0x2] =	stream.indirect.gather [hbm4b:s4+s22], $0x40, s22, s22, $0xb8;
	[tilespmem:$0x13400] =	vst v63  }
0x32: {  	_ =	swait.ge [sflag:s25], $0x2000  }
0x33: {  	[sflag:s25] =	ssyncset.done $0x0  }
0x34: {  	s21 =	simm.s32 $0x2800;
	[sflag:s25] =	ssyncadd.s32 $0xFFFFE000  }
0x35: {  	[spmem:s2] =	stream.indirect.scatter.add.f32 [tilespmem:s23], [sflag:$0x3], $0x40, s21, s22, $0xb8;
	[tilespmem:$0x13400] =	vst v63  }
0x36: {  	_ =	swait.ge [sflag:s20], $0x2000  }
0x37: {  	[sflag:s20] =	ssyncset.done $0x0  }
0x38: {  	s1 =	simm.s32 $0x100;
	[sflag:s20] =	ssyncadd.s32 $0xFFFFE000  }
0x39: {  	[tilespmem:s23], [sflag:$0x1] =	stream.indirect.gather [hbm4b:s4+s22], $0x40, s1, s22, $0xb8;
	[tilespmem:$0x13400] =	vst v63  }
0x3a: {  	_ =	swait.ge [sflag:s26], $0x2000  }
0x3b: {  	[sflag:s26] =	ssyncset.done $0x0  }
0x3c: {  	s21 =	simm.s32 $0x2880;
	[sflag:s26] =	ssyncadd.s32 $0xFFFFE000  }
0x3d: {  	[spmem:s2] =	stream.indirect.scatter.add.f32 [tilespmem:s24], [sflag:$0x3], $0x40, s21, s22, $0xb8;
	[tilespmem:$0x13400] =	vst v63  }
0x3e: {  	_ =	swait.ge [sflag:s20], $0x2000  }
0x3f: {  	[sflag:s20] =	ssyncset.done $0x0  }
0x40: {  	s31 =	simm.s32 $0x400;
	s1 =	simm.s32 $0x180;
	[sflag:s20] =	ssyncadd.s32 $0xFFFFE000  }
.LBB2_6:
0x41: {  	[tilespmem:s24], [sflag:$0x2] =	stream.indirect.gather [hbm4b:s4+s22], $0x40, s1, s22, $0xb8;
	[tilespmem:$0x13400] =	vst v63  }
0x42: {  	s0 =	smov.u32 s31  }
0x43: {  	p0 =	sne.s32 s31, $0x9800;
	s31 =	sadd.s32 $0x400, s31;
	_ =	swait.ge [sflag:s25], $0x2000  }
0x44: {  	s0 =	sshra.s32 s0, $0x2;
	[sflag:s25] =	ssyncset.done $0x0  }
0x45: {  	s1 =	sadd.s32 $0x2800, s0;
	[sflag:s25] =	ssyncadd.s32 $0xFFFFE000  }
0x46: {  	[spmem:s2] =	stream.indirect.scatter.add.f32 [tilespmem:s23], [sflag:$0x3], $0x40, s1, s22, $0xb8;
	[tilespmem:$0x13400] =	vst v63  }
0x47: {  	_ =	swait.ge [sflag:s20], $0x2000  }
0x48: {  	[sflag:s20] =	ssyncset.done $0x0  }
0x49: {  	s1 =	sadd.s32 $0x100, s0;
	[sflag:s20] =	ssyncadd.s32 $0xFFFFE000  }
0x4a: {  	[tilespmem:s23], [sflag:$0x1] =	stream.indirect.gather [hbm4b:s4+s22], $0x40, s1, s22, $0xb8;
	[tilespmem:$0x13400] =	vst v63  }
0x4b: {  	_ =	swait.ge [sflag:s26], $0x2000  }
0x4c: {  	[sflag:s26] =	ssyncset.done $0x0  }
.Ltmp2:
0x4d: {  	s1 =	sadd.s32 $0x2880, s0;
	[sflag:s26] =	ssyncadd.s32 $0xFFFFE000;
	(pc) =	sbr.rel @p0 .LBB2_6-.Ltmp2, $4  }
0x4e: {  	[spmem:s2] =	stream.indirect.scatter.add.f32 [tilespmem:s24], [sflag:$0x3], $0x40, s1, s22, $0xb8;
	[tilespmem:$0x13400] =	vst v63  }
0x4f: {  	_ =	swait.ge [sflag:s20], $0x2000  }
0x50: {  	[sflag:s20] =	ssyncset.done $0x0  }
0x51: {  	s1 =	sadd.s32 $0x180, s0;
	[sflag:s20] =	ssyncadd.s32 $0xFFFFE000  }
0x52: {  	[tilespmem:s24], [sflag:$0x2] =	stream.indirect.gather [hbm4b:s4+s22], $0x40, s1, s22, $0xb8;
	[tilespmem:$0x13400] =	vst v63  }
0x53: {  	_ =	swait.ge [sflag:s25], $0x2000  }
0x54: {  	[sflag:s25] =	ssyncset.done $0x0  }
0x55: {  	[sflag:s25] =	ssyncadd.s32 $0xFFFFE000  }
0x56: {  	[spmem:s2] =	stream.indirect.scatter.add.f32 [tilespmem:s23], [sflag:$0x3], $0x40, s28, s22, $0xb8;
	[tilespmem:$0x13400] =	vst v63  }
0x57: {  	_ =	swait.ge [sflag:s20], $0x2000  }
0x58: {  	[sflag:s20] =	ssyncset.done $0x0  }
0x59: {  	[sflag:s20] =	ssyncadd.s32 $0xFFFFE000  }
0x5a: {  	_ =	swait.ge [sflag:s26], $0x2000  }
0x5b: {  	[sflag:s26] =	ssyncset.done $0x0  }
0x5c: {  	[sflag:s26] =	ssyncadd.s32 $0xFFFFE000  }
0x5d: {  	[spmem:s2] =	stream.indirect.scatter.add.f32 [tilespmem:s24], [sflag:$0x3], $0x40, s29, s22, $0xb8;
	[tilespmem:$0x13400] =	vst v63  }
0x5e: {  	_ =	swait.ge [sflag:s20], $0x2000  }
0x5f: {  	[sflag:s20] =	ssyncset.done $0x0  }
0x60: {  	[sflag:s20] =	ssyncadd.s32 $0xFFFFE000  }
0x61: {  	[bflag:$0x0] =	sbarrier.arrive $0xFFFF  }
0x62: {  	[tilespmem:s23], [sflag:$0x3] =	stream.linear.gather [spmem:s8], $0x2000, $0x38;
	[tilespmem:$0x13400] =	vst v63  }
0x63: {  	_ =	swait.ge [sflag:s20], $0x2000  }
0x64: {  	[sflag:s20] =	ssyncset.done $0x0  }
0x65: {  	[sflag:s20] =	ssyncadd.s32 $0xFFFFE000  }
0x66: {  	[hbm4b:s10+s3] =	stream.linear.scatter [tilespmem:s23], [sflag:$0x3], $0x2000, $0x38;
	[tilespmem:$0x13400] =	vst v63  }
0x67: {  	_ =	swait.ge [sflag:s20], $0x2000  }
0x68: {  	[sflag:s20] =	ssyncset.done $0x0  }
0x69: {  	[sflag:s20] =	ssyncadd.s32 $0xFFFFE000  }
0x6a: {  	[tilespmem:s23], [sflag:$0x3] =	stream.linear.gather [spmem:s11], $0x2000, $0x38;
	[tilespmem:$0x13400] =	vst v63  }
0x6b: {  	_ =	swait.ge [sflag:s20], $0x2000  }
0x6c: {  	[sflag:s20] =	ssyncset.done $0x0  }
0x6d: {  	[sflag:s20] =	ssyncadd.s32 $0xFFFFE000  }
0x6e: {  	[hbm4b:s12+s3] =	stream.linear.scatter [tilespmem:s23], [sflag:$0x3], $0x2000, $0x38;
	[tilespmem:$0x13400] =	vst v63  }
0x6f: {  	_ =	swait.ge [sflag:s20], $0x2000  }
0x70: {  	[sflag:s20] =	ssyncset.done $0x0  }
0x71: {  	[sflag:s20] =	ssyncadd.s32 $0xFFFFE000  }
0x72: {  	[tilespmem:s23], [sflag:$0x3] =	stream.linear.gather [spmem:s13], $0x2000, $0x38;
	[tilespmem:$0x13400] =	vst v63  }
0x73: {  	_ =	swait.ge [sflag:s20], $0x2000  }
0x74: {  	[sflag:s20] =	ssyncset.done $0x0  }
0x75: {  	[sflag:s20] =	ssyncadd.s32 $0xFFFFE000  }
0x76: {  	[hbm4b:s14+s3] =	stream.linear.scatter [tilespmem:s23], [sflag:$0x3], $0x2000, $0x38;
	[tilespmem:$0x13400] =	vst v63  }
0x77: {  	_ =	swait.ge [sflag:s20], $0x2000  }
0x78: {  	[sflag:s20] =	ssyncset.done $0x0  }
0x79: {  	[sflag:s20] =	ssyncadd.s32 $0xFFFFE000  }
0x7a: {  	[tilespmem:s23], [sflag:$0x3] =	stream.linear.gather [spmem:s15], $0x2000, $0x38;
	[tilespmem:$0x13400] =	vst v63  }
0x7b: {  	_ =	swait.ge [sflag:s20], $0x2000  }
0x7c: {  	[sflag:s20] =	ssyncset.done $0x0  }
0x7d: {  	[sflag:s20] =	ssyncadd.s32 $0xFFFFE000  }
0x7e: {  	[hbm4b:s16+s3] =	stream.linear.scatter [tilespmem:s23], [sflag:$0x3], $0x2000, $0x38;
	[tilespmem:$0x13400] =	vst v63  }
0x7f: {  	_ =	swait.ge [sflag:s20], $0x2000  }
0x80: {  	[sflag:s20] =	ssyncset.done $0x0  }
0x81: {  	[sflag:s20] =	ssyncadd.s32 $0xFFFFE000  }
0x82: {  	[tilespmem:s23], [sflag:$0x3] =	stream.linear.gather [spmem:s17], $0x2000, $0x38;
	[tilespmem:$0x13400] =	vst v63  }
0x83: {  	s30 =	sadd.s32 $0x1, s30;
	_ =	swait.ge [sflag:s20], $0x2000  }
0x84: {  	p0 =	sne.s32 s30, s9;
	[sflag:s20] =	ssyncset.done $0x0  }
.Ltmp3:
0x85: {  	[sflag:s20] =	ssyncadd.s32 $0xFFFFE000;
	(pc) =	sbr.rel @p0 .LBB2_1-.Ltmp3, $4  }
0x86: {  	[hbm4b:s18+s3] =	stream.linear.scatter [tilespmem:s23], [sflag:$0x3], $0x2000, $0x38;
	[tilespmem:$0x13400] =	vst v63  }
0x87: {  	_ =	swait.ge [sflag:s20], $0x2000  }
0x88: {  	[sflag:s20] =	ssyncset.done $0x0  }
0x89: {  	[sflag:s20] =	ssyncadd.s32 $0xFFFFE000  }
0x8a: {  	_ =	sfence.sel $0x180000  }
0x8b: {  	[bflag:$0x0] =	sbarrier.arrive $0xFFFF  }
0x8c: {  	_ =	strace $0x9000004A  }
0x8d: {  	s0 =	stileid.u32;
	[bflag:$0x2] =	sbarrier.arrive $0xFFFF  }
0x8e: {  	p0 =	sne.s32 s0, $0x0;
	s0 =	rddreg [dreg:$0x2]  }
0x8f: {  	s0 =	sadd.s32 @!p0 $0x100000, s0  }
0x90: {  	[sflag:s0] =	ssyncadd.tile.s32 @!p0 $0x1;
	_ =	shalt  }
.Lfunc_end2:
_tile_overlayer_lowered:
.L_overlay_start_2:
0x91: {  	(tag) =	ssettag $0x2  }
0x92: {  	s0 =	rddreg [dreg:$0x0];
	s2 =	stileid.u32  }
0x93: {  	s1 =	rddreg [dreg:$0x1];
	p0 =	sne.s32 s2, $0x0  }
0x94: {  	s3 =	rddreg [dreg:$0x2];
	[bflag:$0x3] =	sbarrier.arrive $0xFFFF;
	s2 =	simm.s32 @!p0 $0x1C03  }
0x95: {  	[timem:s3], [sflag:s2] =	dma.local @!p0 [hbm:s0], s1  }
0x96: {  	s0 =	simm.s32 @!p0 $0x3  }
0x97: {  	_ =	swait.ge @!p0 [sflag:s0], s1  }
0x98: {  	s1 =	ssub.s32 @!p0 $0x0, s1;
	[sflag:s0] =	ssyncset.done @!p0 $0x0  }
0x99: {  	[sflag:s0] =	ssyncadd.s32 @!p0 s1  }
0x9a: {  	[bflag:$0x3] =	sbarrier.arrive $0xFFFF  }
0x9b: {  	_ =	shalt  }

// kernel: kernel.7.cloned.1.call-start
scs
__scs_entry_jumppad:
0x0: {  	(pc) =	sbr.rel $0x88, $3  }
0x1: {  	(tag) =	ssettag $0x0;
	lr =	simm.s32 $0x1  }
0x2: {  	[smem:$0x3F95] =	sst lr;
	_ =	strace $0xD0000000  }
0x3: {  	_ = 	snop  }
0x4: {  	_ = 	snop  }
0x5: {  	_ = 	snop  }
0x6: {  	_ = 	snop  }
0x7: {  	_ = 	snop  }
__scs_overlays_trampoline_lowered:
0x8: {  	[smem:$0x3FA4] =	sst s0  }
0x9: {  	[smem:$0x3FA5] =	sst s1  }
0xa: {  	[smem:$0x3FA6] =	sst s2  }
0xb: {  	[smem:$0x3FA7] =	sst s3  }
0xc: {  	[smem:$0x3FA8] =	sst s4  }
0xd: {  	[smem:$0x3FA9] =	sst s5  }
0xe: {  	[smem:$0x3FAA] =	sst s6  }
0xf: {  	[smem:$0x3FAB] =	sst s7  }
0x10: {  	[smem:$0x3FAC] =	sst s8  }
0x11: {  	[smem:$0x3FAD] =	sst s9;
	s0 =	simm.s32 @!p0 $0x0  }
0x12: {  	s1 =	sld [smem:$0x3F93];
	s0 =	simm.s32 @p0 $0x1  }
0x13: {  	[smem:$0x3FAE] =	sst s0;
	s0 =	simm.s32 @!p1 $0x0  }
0x14: {  	s2 =	sld [smem:$0x3F92];
	s0 =	simm.s32 @p1 $0x1  }
0x15: {  	[smem:$0x3FAF] =	sst s0;
	s0 =	simm.s32 @!p2 $0x0  }
0x16: {  	s3 =	sld [smem:$0x3FDB];
	s0 =	simm.s32 @p2 $0x1  }
0x17: {  	s4 =	simm.s32 $0x1BF5;
	[smem:$0x3FB1] =	sst s0  }
0x18: {  	s0 =	sld [smem:$0x3F94];
	_ =	swait.ge [sflag:s4], $0x0  }
0x19: {  	s7 =	sld [smem:$0x3F95]  }
0x1a: {  	s8 =	sadd.s32 $0xFFFFE003, lr  }
0x1b: {  	s9 =	sadd.s32 $0xFFFFFEF7, lr;
	s5 =	simm.s32 $0xFFFFFFFF;
	p2 =	slt.u32 s8, $0xFFFFF086  }
0x1c: {  	p1 =	slt.u32 s9, $0xF7A;
	s5 =	simm.s32 @!p2 $0x0  }
0x1d: {  	s5 =	simm.s32 @p1 $0x1;
	p0 =	seq.s32 s7, s2  }
0x1e: {  	s7 =	smul.u32 @!p0 $0xF7A, s2;
	p2 =	seq.s32 @!p0 s5, $0x0  }
0x1f: {  	s9 =	smul.u32 $0xF7A, s1;
	s8 =	simm.s32 @!p0 $0x1BF5;
	p2 =	por !p2, p0  }
0x20: {  	[sflag:s8] =	ssyncset.s32 @!p0 $0xFFFFF086;
	s6 =	sadd.s32 @!p0 s3, s7;
	s7 =	simm.s32 @!p0 $0x108  }
0x21: {  	s3 =	sadd.s32 s3, s9;
	s6 =	sadd.s32 @!p0 $0x88, s6;
	s7 =	simm.s32 @p2 $0x1082  }
0x22: {  	[simem:s7], [sflag:s8] =	dma.local @!p0 [hbm:s6], $0xF7A  }
0x23: {  	s9 =	sor.u32 $0xD0000000, s2;
	s6 =	simm.s32 $0x108;
	_ =	swait.ge @!p0 [sflag:s8], $0x0  }
0x24: {  	s3 =	sadd.s32 $0x88, s3;
	s6 =	simm.s32 @!p1 $0x1082;
	[sflag:s4] =	ssyncset.s32 $0xFFFFF086  }
0x25: {  	[simem:s6], [sflag:s4] =	dma.local [hbm:s3], $0xF7A  }
0x26: {  	[smem:$0x3F95] =	sst s1;
	(tag) =	ssettag s2;
	_ =	strace s9  }
0x27: {  	s1 =	sld [smem:$0x3FA5]  }
0x28: {  	s2 =	sld [smem:$0x3FA6]  }
0x29: {  	s4 =	sld [smem:$0x3FA8]  }
0x2a: {  	p0 =	seq.s32 s5, $0x0;
	s5 =	sld [smem:$0x3FA9]  }
0x2b: {  	s6 =	sld [smem:$0x3FAA]  }
0x2c: {  	s7 =	sld [smem:$0x3FAB]  }
0x2d: {  	s3 =	simm.s32 $0x108;
	s8 =	sld [smem:$0x3FAC]  }
0x2e: {  	s3 =	simm.s32 @!p0 $0x1082;
	s9 =	sld [smem:$0x3FAD]  }
0x2f: {  	lr =	sadd.s32 s0, s3;
	s0 =	sld [smem:$0x3FA4]  }
0x30: {  	s3 =	sld [smem:$0x3FA7]  }
0x31: {  	[smem:$0x3FB0] =	sst s10  }
0x32: {  	s10 =	sld [smem:$0x3FAE];
	_ =	sdelay $0x3  }
0x33: {  	p0 =	seq.s32 s10, $0x1;
	s10 =	sld [smem:$0x3FB0];
	_ =	sdelay $0x3  }
0x34: {  	[smem:$0x3FB0] =	sst s10  }
0x35: {  	s10 =	sld [smem:$0x3FAF];
	_ =	sdelay $0x3  }
0x36: {  	p1 =	seq.s32 s10, $0x1;
	s10 =	sld [smem:$0x3FB0];
	_ =	sdelay $0x3  }
0x37: {  	[smem:$0x3FB0] =	sst s10  }
0x38: {  	s10 =	sld [smem:$0x3FB1]  }
0x39: {  	_ = 	snop;
	(pc) =	sbr.ind lr, $3  }
0x3a: {  	_ = 	snop  }
0x3b: {  	_ = 	snop  }
0x3c: {  	p2 =	seq.s32 s10, $0x1;
	s10 =	sld [smem:$0x3FB0]  }
0x3d: {  	_ =	shalt  }
0x3e: {  	_ =	shalt  }
0x3f: {  	_ =	shalt  }
0x40: {  	_ =	shalt  }
0x41: {  	_ =	shalt  }
0x42: {  	_ =	shalt  }
0x43: {  	_ =	shalt  }
0x44: {  	_ =	shalt  }
0x45: {  	_ =	shalt  }
0x46: {  	_ =	shalt  }
0x47: {  	_ =	shalt  }
0x48: {  	_ =	shalt  }
0x49: {  	_ =	shalt  }
0x4a: {  	_ =	shalt  }
0x4b: {  	_ =	shalt  }
0x4c: {  	_ =	shalt  }
0x4d: {  	_ =	shalt  }
0x4e: {  	_ =	shalt  }
0x4f: {  	_ =	shalt  }
0x50: {  	_ =	shalt  }
0x51: {  	_ =	shalt  }
0x52: {  	_ =	shalt  }
0x53: {  	_ =	shalt  }
0x54: {  	_ =	shalt  }
0x55: {  	_ =	shalt  }
0x56: {  	_ =	shalt  }
0x57: {  	_ =	shalt  }
0x58: {  	_ =	shalt  }
0x59: {  	_ =	shalt  }
0x5a: {  	_ =	shalt  }
0x5b: {  	_ =	shalt  }
0x5c: {  	_ =	shalt  }
0x5d: {  	_ =	shalt  }
0x5e: {  	_ =	shalt  }
0x5f: {  	_ =	shalt  }
0x60: {  	_ =	shalt  }
0x61: {  	_ =	shalt  }
0x62: {  	_ =	shalt  }
0x63: {  	_ =	shalt  }
0x64: {  	_ =	shalt  }
0x65: {  	_ =	shalt  }
0x66: {  	_ =	shalt  }
0x67: {  	_ =	shalt  }
0x68: {  	_ =	shalt  }
0x69: {  	_ =	shalt  }
0x6a: {  	_ =	shalt  }
0x6b: {  	_ =	shalt  }
0x6c: {  	_ =	shalt  }
0x6d: {  	_ =	shalt  }
0x6e: {  	_ =	shalt  }
0x6f: {  	_ =	shalt  }
0x70: {  	_ =	shalt  }
0x71: {  	_ =	shalt  }
0x72: {  	_ =	shalt  }
0x73: {  	_ =	shalt  }
0x74: {  	_ =	shalt  }
0x75: {  	_ =	shalt  }
0x76: {  	_ =	shalt  }
0x77: {  	_ =	shalt  }
0x78: {  	_ =	shalt  }
0x79: {  	_ =	shalt  }
0x7a: {  	_ =	shalt  }
0x7b: {  	_ =	shalt  }
0x7c: {  	_ =	shalt  }
0x7d: {  	_ =	shalt  }
0x7e: {  	_ =	shalt  }
0x7f: {  	_ =	shalt  }
0x80: {  	_ =	shalt  }
0x81: {  	_ =	shalt  }
0x82: {  	_ =	shalt  }
0x83: {  	_ =	shalt  }
0x84: {  	_ =	shalt  }
0x85: {  	_ =	shalt  }
0x86: {  	_ =	shalt  }
0x87: {  	_ =	shalt  }
.Lfunc_end0:
.L_simem_size_0:
called_computation_lowered:
.L_overlay_start_0:
0x88: {  	s2 =	sld [smem:$0x3FD9]  }
0x89: {  	s3 =	sld [smem:$0x3FFE];
	_ =	sdelay $0x1  }
0x8a: {  	s1 =	srdreg.scid  }
0x8b: {  	s0 =	sand.u32 $0x1, s1  }
0x8c: {  	s16 =	sshll.u32 s0, $0xA;
	s2 =	sadd.s32 s3, s2  }
0x8d: {  	s2 =	sadd.s32 s2, s16  }
0x8e: {  	[smem:$0x3FBC] =	sst s2  }
0x8f: {  	_ = 	snop  }
0x90: {  	(tm) =	ssettm $0x1  }
0x91: {  	s17 =	sld [smem:$0x3FFB];
	_ =	sdelay $0x3  }
0x92: {  	_ =	strace s17  }
0x93: {  	s2 =	sld [smem:$0x3FFC];
	_ =	sdelay $0x3  }
0x94: {  	_ =	strace s2  }
0x95: {  	s2 =	sld [smem:$0x3FFD];
	_ =	sdelay $0x3  }
0x96: {  	_ =	strace s2  }
0x97: {  	_ =	strace $0x8FFFFFFF  }
0x98: {  	s18 =	sld [smem:$0x3FDB];
	_ =	sdelay $0x1  }
0x99: {  	s19 =	simm.s32 $_scs_section_size  }
0x9a: {  	s4 =	simm.s32 $_size__tile_overlayer_lowered;
	s5 =	simm.s32 $_tile_overlayer_lowered  }
0x9b: {  	s22 =	simm.s32 $0x1BFF;
	s21 =	sshll.u32 s5, $0x1;
	s2 =	sadd.s32 s19, s18  }
0x9c: {  	s6 =	simm.s32 $0x0;
	s20 =	sshll.u32 s4, $0x1;
	s4 =	sadd.s32 s21, s2  }
0x9d: {  	[timem:s6], [sflag:s22] =	dma.local [hbm:s4], s20  }
0x9e: {  	_ =	swait.ge [sflag:s22], s20  }
0x9f: {  	s3 =	ssub.s32 $0x0, s20;
	[sflag:s22] =	ssyncset.done $0x0  }
0xa0: {  	[sflag:s22] =	ssyncadd.s32 s3;
	_ =	sdelay $0x1  }
0xa1: {  	s23 =	simm.s32 $0x1B8B  }
0xa2: {  	_ =	swait.ge [sflag:s23], $0x1  }
0xa3: {  	[sflag:s23] =	ssyncset.done $0x0  }
0xa4: {  	s25 =	simm.s32 $0x1B8E;
	s24 =	sld [smem:$0x3FFE];
	[sflag:s23] =	ssyncadd.s32 $0xFFFFFFFF  }
0xa5: {  	s26 =	simm.s32 $execute0_lowered;
	[smem:$0x3FD2] =	sst s25  }
0xa6: {  	s4 =	sshll.u32 s26, $0x1;
	_ =	strace $0x80000046;
	[dreg:$0x1] =	wrdreg $0xFFFFFFFF  }
0xa7: {  	s28 =	simm.s32 $_size_execute0_lowered;
	s2 =	sadd.s32 s2, s4;
	[dreg:$0x0] =	wrdreg $0x0  }
0xa8: {  	s4 =	sshll.u32 s28, $0x1;
	[dreg:$0x2] =	wrdreg s2  }
0xa9: {  	[dreg:$0x3] =	wrdreg s4  }
0xaa: {  	[dreg:$0x4] =	wrdreg $0xC0  }
0xab: {  	_ =	task [dreg:s6], $0x5FFFF  }
0xac: {  	[dreg:$0x1] =	wrdreg $0xFFFFFFFF  }
0xad: {  	[dreg:$0x0] =	wrdreg $0x60  }
0xae: {  	[dreg:$0x2] =	wrdreg s24  }
0xaf: {  	[dreg:$0x3] =	wrdreg $0x94000  }
0xb0: {  	[dreg:$0x4] =	wrdreg $0x13D000  }
0xb1: {  	[dreg:$0x5] =	wrdreg $0x9  }
0xb2: {  	_ =	task.clear_ibuf [dreg:s6], $0x6FFFF;
	_ =	strace $0x90000046  }
0xb3: {  	s29 =	simm.s32 $0x9;
	_ =	strace $0x80000048  }
0xb4: {  	_ =	swait.ge [sflag:s29], $0x1  }
0xb5: {  	[sflag:s29] =	ssyncadd.s32 $0xFFFFFFFF  }
0xb6: {  	_ =	strace $0x90000048  }
0xb7: {  	_ =	sfence  }
0xb8: {  	s30 =	sld [smem:$0x0];
	_ =	sdelay $0x2  }
0xb9: {  	s31 =	sshll.u32 s1, $0xD;
	s1 =	sshrl.u32 s1, $0x2  }
0xba: {  	s3 =	sand.u32 $0x4000, s31;
	s1 =	sadd.s32 s1, s30  }
0xbb: {  	s0 =	sor.u32 s3, s0;
	s1 =	sshll.u32 s1, $0x11  }
0xbc: {  	s0 =	sor.u32 s1, s0  }
0xbd: {  	s0 =	sadd.s32 $0x8F2B, s0  }
0xbe: {  	[sflag:s0] =	ssyncadd.remote.s32 $0x1  }
0xbf: {  	_ =	sfence.sel $0xFFFF  }
0xc0: {  	[dreg:$0x0] =	wrdreg $0xFFFFFFFF;
	(pc) =	sbr.abs _section_cstart, $3  }
0xc1: {  	[dreg:$0x1] =	wrdreg $0xFFFFFFFF  }
0xc2: {  	_ =	task.clear_ibuf [dreg:s6], $0x2FFFF;
	_ =	strace $0x9FFFFFFF  }
0xc3: {  	(tm) =	ssettm $0x7FFFFFFF  }
tec
execute0_lowered:
.L_overlay_start_1:
0x0: {  	(tag) =	ssettag $0x1  }
0x1: {  	s19 =	stileid.u32  }
0x2: {  	s0 =	srdreg.scid;
	s7 =	smul.u32 $0x2800, s19  }
0x3: {  	s2 =	sand.u32 $0x1, s0;
	s11 =	smul.u32 $0x280, s19  }
0x4: {  	s6 =	rddreg [dreg:$0x0];
	s14 =	sshll.u32 s19, $0x1;
	s4 =	smul.u32 $0xA0000, s2  }
0x5: {  	s1 =	simm.s32 $0x0;
	s0 =	sor.u32 s2, s14;
	s5 =	smul.u32 $0x28000, s2  }
0x6: {  	[smem:$0x7FF] =	sst s1;
	s8 =	sadd.s32 $0x33800, s6;
	s3 =	smul.u32 $0x500, s0  }
0x7: {  	s9 =	sadd.s32 $0x29800, s6;
	s2 =	ssub.s32 $0x2, s2;
	s0 =	smul.u32 $0xA000, s19  }
0x8: {  	s10 =	sshrl.u32 s2, $0x1;
	s18 =	sadd.s32 $0x80, s11;
	s26 =	sadd.s32 $0x100, s11  }
0x9: {  	s25 =	sadd.s32 $0x180, s11;
	s11 =	sadd.s32 $0x200, s11;
	s13 =	sadd.s32 s5, s7  }
0xa: {  	s2 =	ssub.s32 s2, s10;
	s20 =	sshll.u32 s18, $0x6;
	s12 =	sadd.s32 s4, s0  }
0xb: {  	s16 =	sshrl.u32 s13, $0x3;
	s14 =	sadd.s32 s4, s20;
	s13 =	rddreg [dreg:$0x2]  }
0xc: {  	s3 =	sadd.s32 s3, s6;
	s2 =	smax.u32 s2, $0x1;
	s15 =	sshrl.u32 s12, $0x3  }
0xd: {  	s17 =	sadd.s32 s9, s16;
	s16 =	sshll.u32 s26, $0x6;
	s14 =	sshrl.u32 s14, $0x3  }
0xe: {  	s24 =	sadd.s32 $0x1F800, s3;
	s3 =	sadd.s32 $0x15800, s3;
	s10 =	sadd.s32 s8, s15  }
0xf: {  	s12 =	simm.s32 $0x4F80;
	[dreg:$0x4] =	wrdreg s10;
	s10 =	sshll.u32 s18, $0x4  }
0x10: {  	[dreg:$0x5] =	wrdreg s17;
	s14 =	sadd.s32 s8, s14;
	s15 =	sadd.s32 s5, s10  }
0x11: {  	s17 =	sadd.s32 s4, s16;
	[dreg:$0x6] =	wrdreg s14;
	s15 =	sshrl.u32 s15, $0x3  }
0x12: {  	s31 =	sadd.s32 s9, s15;
	s15 =	sshrl.u32 s17, $0x3;
	s17 =	sshll.u32 s26, $0x4  }
0x13: {  	[dreg:$0x7] =	wrdreg s31;
	s14 =	sadd.s32 s8, s15;
	s26 =	sadd.s32 s5, s17  }
0x14: {  	s31 =	sshll.u32 s25, $0x6;
	[dreg:$0x8] =	wrdreg s14;
	s15 =	sshrl.u32 s26, $0x3  }
0x15: {  	s18 =	sadd.s32 s4, s31;
	s26 =	sshll.u32 s11, $0x6;
	s14 =	simm.s32 $0x0  }
0x16: {  	s15 =	sadd.s32 s9, s15;
	s21 =	sshrl.u32 s18, $0x3;
	s4 =	sadd.s32 s4, s26  }
0x17: {  	s18 =	sshll.u32 s25, $0x4;
	s25 =	sadd.s32 s7, s13;
	s7 =	simm.s32 $0x13400  }
0x18: {  	[dreg:$0x9] =	wrdreg s15;
	s15 =	sadd.s32 s8, s21;
	s4 =	sshrl.u32 s4, $0x3  }
0x19: {  	s22 =	sadd.s32 s5, s18;
	s21 =	sadd.s32 s10, s13;
	s10 =	simm.s32 $0x9000  }
0x1a: {  	[dreg:$0xa] =	wrdreg s15;
	s4 =	sadd.s32 s8, s4;
	s8 =	sshll.u32 s11, $0x4  }
0x1b: {  	s11 =	rddreg [dreg:$0x1];
	s15 =	sadd.s32 $0x1E00, s6;
	s6 =	simm.s32 $0x1  }
0x1c: {  	[dreg:$0xb] =	wrdreg s4;
	s4 =	sshrl.u32 s22, $0x3;
	s5 =	sadd.s32 s5, s8  }
0x1d: {  	s20 =	sadd.s32 s20, s11;
	s22 =	sadd.s32 s16, s11;
	s26 =	sadd.s32 s26, s11  }
0x1e: {  	s28 =	sadd.s32 s8, s13;
	s29 =	sadd.s32 s0, s11;
	s0 =	sshrl.u32 s0, $0x2  }
0x1f: {  	s8 =	simm.s32 $0x2;
	s4 =	sadd.s32 s9, s4;
	s23 =	sshrl.u32 s5, $0x3  }
0x20: {  	s30 =	sadd.s32 s0, s13;
	[dreg:$0xc] =	wrdreg s4;
	s4 =	sadd.s32 s9, s23  }
0x21: {  	s0 =	simm.s32 $0x3;
	s5 =	simm.s32 $0x7000;
	[dreg:$0xd] =	wrdreg s4  }
0x22: {  	s23 =	sadd.s32 s17, s13;
	_ =	strace $0x80000047;
	[dreg:$0xe] =	wrdreg s24  }
0x23: {  	[dreg:$0xf] =	wrdreg s3;
	s24 =	sadd.s32 s31, s11;
	s31 =	smul.u32 $0x28000, s19  }
0x24: {  	s9 =	simm.s32 $0x4F00;
	s4 =	simm.s32 $0x5000;
	[dreg:$0x10] =	wrdreg s2  }
0x25: {  	[dreg:$0x11] =	wrdreg s25;
	s25 =	sadd.s32 s18, s13;
	s2 =	sshrl.u32 s31, $0x2  }
0x26: {  	v0 =	vimm.f32 $0.0e+00;
	v1 =	vimm.f32 $1.000000000e+00;
	s3 =	simm.s32 $0x80;
	s17 =	sadd.s32 s2, s11;
	s2 =	simm.s32 $0x13C00  }
.LBB2_1:
0x27: {  	s16 =	sand.u32 $0xF00, s1  }
0x28: {  	s18 =	sand.u32 $0x30, s1;
	s31 =	sshrl.u32 s16, $0x2  }
0x29: {  	s16 =	simm.s32 $0x40;
	s18 =	sor.u32 s18, s31;
	s31 =	simm.s32 $0x0  }
.LBB2_2:
0x2a: {  	p0 =	sne.s32 s16, $0xFC0  }
0x2b: {  	[tilespmem:s18+$0x9000] =	vst v0;
	s31 =	sadd.s32 $0x10, s31;
	s18 =	smov.u32 s16;
	s16 =	sadd.s32 $0x40, s16  }
.Ltmp0:
0x2c: {  	(pc) =	sbr.rel @p0 .LBB2_2-.Ltmp0, $4  }
0x2d: {  	_ = 	snop  }
0x2e: {  	s18 =	sand.u32 $0xF00, s18  }
0x2f: {  	s19 =	sand.u32 $0x30, s31;
	s18 =	sshrl.u32 s18, $0x2  }
0x30: {  	s18 =	sor.u32 s19, s18  }
0x31: {  	[tilespmem:s18+$0x9000] =	vst v0  }
0x32: {  	[tilespmem:$0x13C00] =	vst v0  }
0x33: {  	[tilespmem:$0x13C10] =	vst v0  }
0x34: {  	[tilespmem:$0x13C20] =	vst v0  }
0x35: {  	[tilespmem:$0x13C30] =	vst v0  }
0x36: {  	[tilespmem:$0x13C40] =	vst v0  }
0x37: {  	[tilespmem:$0x13C50] =	vst v0  }
0x38: {  	[tilespmem:$0x13C60] =	vst v0  }
0x39: {  	[tilespmem:$0x13C70] =	vst v0  }
0x3a: {  	[tilespmem:$0x13C80] =	vst v0  }
0x3b: {  	[tilespmem:$0x13C90] =	vst v0  }
0x3c: {  	[tilespmem:$0x13CA0] =	vst v0  }
0x3d: {  	[tilespmem:$0x13CB0] =	vst v0  }
0x3e: {  	[tilespmem:$0x13CC0] =	vst v0  }
0x3f: {  	[tilespmem:$0x13CD0] =	vst v0  }
0x40: {  	[tilespmem:$0x13CE0] =	vst v0  }
0x41: {  	s16 =	simm.s32 $0x40;
	s18 =	simm.s32 $0x0;
	[tilespmem:$0x13CF0] =	vst v0  }
.LBB2_4:
0x42: {  	p0 =	sne.s32 s16, $0x1FC0;
	[tilespmem:s18+$0x13400] =	vst v1;
	s18 =	smov.u32 s16;
	s16 =	sadd.s32 $0x40, s16  }
.Ltmp1:
0x43: {  	(pc) =	sbr.rel @p0 .LBB2_4-.Ltmp1, $2  }
0x44: {  	_ =	sdelay $0x2  }
0x45: {  	s18 =	sshra.s32 s18, $0x2  }
0x46: {  	[tilespmem:s18+$0x13400] =	vst v1  }
0x47: {  	[spmem:s17] =	stream.linear.scatter [tilespmem:s10], [sflag:$0x3], $0x400, $0x38;
	[tilespmem:$0x16500] =	vst v63  }
0x48: {  	_ =	swait.ge [sflag:s0], $0x400  }
0x49: {  	[sflag:s0] =	ssyncset.done $0x0  }
0x4a: {  	s16 =	sadd.s32 $0x0, s30;
	[sflag:s0] =	ssyncadd.s32 $0xFFFFFC00  }
0x4b: {  	[spmem:s16] =	stream.linear.scatter [tilespmem:s2], [sflag:$0x3], $0x100, $0x38;
	[tilespmem:$0x16500] =	vst v63  }
0x4c: {  	_ =	swait.ge [sflag:s0], $0x100  }
0x4d: {  	s31 =	smov.u32 s17;
	s16 =	simm.s32 $0x400;
	[sflag:s0] =	ssyncset.done $0x0  }
.LBB2_6:
0x4e: {  	p0 =	sne.s32 s16, $0x9C00;
	[sflag:s0] =	ssyncadd.s32 $0xFFFFFF00;
	s31 =	sadd.s32 $0x400, s31  }
0x4f: {  	[spmem:s31] =	stream.linear.scatter [tilespmem:s10], [sflag:$0x3], $0x400, $0x38;
	[tilespmem:$0x16500] =	vst v63  }
0x50: {  	s18 =	smov.u32 s16;
	s16 =	sadd.s32 $0x400, s16;
	_ =	swait.ge [sflag:s0], $0x400  }
.Ltmp2:
0x51: {  	s18 =	sshra.s32 s18, $0x2;
	[sflag:s0] =	ssyncset.done $0x0;
	(pc) =	sbr.rel @p0 .LBB2_6-.Ltmp2, $4  }
0x52: {  	s18 =	sadd.s32 s18, s30;
	[sflag:s0] =	ssyncadd.s32 $0xFFFFFC00  }
0x53: {  	[spmem:s18] =	stream.linear.scatter [tilespmem:s2], [sflag:$0x3], $0x100, $0x38;
	[tilespmem:$0x16500] =	vst v63  }
0x54: {  	_ =	swait.ge [sflag:s0], $0x100  }
0x55: {  	[sflag:s0] =	ssyncset.done $0x0  }
0x56: {  	[sflag:s0] =	ssyncadd.s32 $0xFFFFFF00;
	s16 =	simm.s32 $0x0;
	s18 =	rddreg [dreg:$0xe]  }
0x57: {  	[tilespmem:s16], [sflag:$0x3] =	stream.linear.gather [hbm4b:s18+s16], $0x2800, $0x38;
	[tilespmem:$0x16500] =	vst v63  }
0x58: {  	_ =	swait.ge [sflag:s0], $0x2800  }
0x59: {  	[sflag:s0] =	ssyncset.done $0x0  }
0x5a: {  	s19 =	simm.s32 $0x2800;
	s31 =	rddreg [dreg:$0xf];
	[sflag:s0] =	ssyncadd.s32 $0xFFFFD800  }
0x5b: {  	[tilespmem:s19], [sflag:$0x3] =	stream.linear.gather [hbm4b:s31+s16], $0x2800, $0x38;
	[tilespmem:$0x16500] =	vst v63  }
0x5c: {  	_ =	swait.ge [sflag:s0], $0x2800  }
0x5d: {  	[sflag:s0] =	ssyncset.done $0x0  }
0x5e: {  	[sflag:s0] =	ssyncadd.s32 $0xFFFFD800  }
0x5f: {  	[bflag:$0x0] =	sbarrier.arrive $0xFFFF  }
0x60: {  	[tilespmem:s4], [sflag:$0x1] =	stream.indirect.gather [hbm4b:s15+s3], $0x40, s16, s3, $0xb8;
	[tilespmem:$0x16500] =	vst v63  }
0x61: {  	_ = 	snop  }
0x62: {  	[tilespmem:s5], [sflag:$0x2] =	stream.indirect.gather [hbm4b:s15+s3], $0x40, s3, s3, $0xb8;
	[tilespmem:$0x16500] =	vst v63  }
0x63: {  	_ =	swait.ge [sflag:s6], $0x2000  }
0x64: {  	[sflag:s6] =	ssyncset.done $0x0  }
0x65: {  	s18 =	simm.s32 $0x2800;
	[sflag:s6] =	ssyncadd.s32 $0xFFFFE000  }
0x66: {  	[spmem:s11] =	stream.indirect.scatter.add.f32 [tilespmem:s4], [sflag:$0x3], $0x40, s18, s3, $0xb8;
	[tilespmem:$0x16500] =	vst v63  }
0x67: {  	_ =	swait.ge [sflag:s0], $0x2000  }
0x68: {  	[sflag:s0] =	ssyncset.done $0x0  }
0x69: {  	[sflag:s0] =	ssyncadd.s32 $0xFFFFE000  }
0x6a: {  	[spmem:s13] =	stream.indirect.scatter.add.f32 [tilespmem:s7], [sflag:$0x3], $0x10, s18, s3, $0xb8;
	[tilespmem:$0x16500] =	vst v63  }
0x6b: {  	_ =	swait.ge [sflag:s0], $0x800  }
0x6c: {  	[sflag:s0] =	ssyncset.done $0x0  }
0x6d: {  	s19 =	simm.s32 $0x100;
	[sflag:s0] =	ssyncadd.s32 $0xFFFFF800  }
0x6e: {  	[tilespmem:s4], [sflag:$0x1] =	stream.indirect.gather [hbm4b:s15+s3], $0x40, s19, s3, $0xb8;
	[tilespmem:$0x16500] =	vst v63  }
0x6f: {  	_ =	swait.ge [sflag:s8], $0x2000  }
0x70: {  	[sflag:s8] =	ssyncset.done $0x0  }
0x71: {  	s31 =	simm.s32 $0x2880;
	[sflag:s8] =	ssyncadd.s32 $0xFFFFE000  }
0x72: {  	[spmem:s11] =	stream.indirect.scatter.add.f32 [tilespmem:s5], [sflag:$0x3], $0x40, s31, s3, $0xb8;
	[tilespmem:$0x16500] =	vst v63  }
0x73: {  	_ =	swait.ge [sflag:s0], $0x2000  }
0x74: {  	[sflag:s0] =	ssyncset.done $0x0  }
0x75: {  	[sflag:s0] =	ssyncadd.s32 $0xFFFFE000  }
0x76: {  	[spmem:s13] =	stream.indirect.scatter.add.f32 [tilespmem:s7], [sflag:$0x3], $0x10, s31, s3, $0xb8;
	[tilespmem:$0x16500] =	vst v63  }
0x77: {  	_ =	swait.ge [sflag:s0], $0x800  }
0x78: {  	[sflag:s0] =	ssyncset.done $0x0  }
0x79: {  	s16 =	simm.s32 $0x400;
	s18 =	simm.s32 $0x180;
	[sflag:s0] =	ssyncadd.s32 $0xFFFFF800  }
.LBB2_8:
0x7a: {  	[tilespmem:s5], [sflag:$0x2] =	stream.indirect.gather [hbm4b:s15+s3], $0x40, s18, s3, $0xb8;
	[tilespmem:$0x16500] =	vst v63  }
0x7b: {  	s18 =	smov.u32 s16  }
0x7c: {  	p0 =	sne.s32 s16, $0x9800;
	s16 =	sadd.s32 $0x400, s16;
	_ =	swait.ge [sflag:s6], $0x2000  }
0x7d: {  	s18 =	sshra.s32 s18, $0x2;
	[sflag:s6] =	ssyncset.done $0x0  }
0x7e: {  	s19 =	sadd.s32 $0x2800, s18;
	[sflag:s6] =	ssyncadd.s32 $0xFFFFE000  }
0x7f: {  	[spmem:s11] =	stream.indirect.scatter.add.f32 [tilespmem:s4], [sflag:$0x3], $0x40, s19, s3, $0xb8;
	[tilespmem:$0x16500] =	vst v63  }
0x80: {  	_ =	swait.ge [sflag:s0], $0x2000  }
0x81: {  	[sflag:s0] =	ssyncset.done $0x0  }
0x82: {  	[sflag:s0] =	ssyncadd.s32 $0xFFFFE000  }
0x83: {  	[spmem:s13] =	stream.indirect.scatter.add.f32 [tilespmem:s7], [sflag:$0x3], $0x10, s19, s3, $0xb8;
	[tilespmem:$0x16500] =	vst v63  }
0x84: {  	_ =	swait.ge [sflag:s0], $0x800  }
0x85: {  	[sflag:s0] =	ssyncset.done $0x0  }
0x86: {  	s19 =	sadd.s32 $0x100, s18;
	[sflag:s0] =	ssyncadd.s32 $0xFFFFF800  }
0x87: {  	[tilespmem:s4], [sflag:$0x1] =	stream.indirect.gather [hbm4b:s15+s3], $0x40, s19, s3, $0xb8;
	[tilespmem:$0x16500] =	vst v63  }
0x88: {  	_ =	swait.ge [sflag:s8], $0x2000  }
0x89: {  	[sflag:s8] =	ssyncset.done $0x0  }
0x8a: {  	s19 =	sadd.s32 $0x2880, s18;
	[sflag:s8] =	ssyncadd.s32 $0xFFFFE000  }
0x8b: {  	[spmem:s11] =	stream.indirect.scatter.add.f32 [tilespmem:s5], [sflag:$0x3], $0x40, s19, s3, $0xb8;
	[tilespmem:$0x16500] =	vst v63  }
0x8c: {  	_ =	swait.ge [sflag:s0], $0x2000  }
0x8d: {  	[sflag:s0] =	ssyncset.done $0x0  }
.Ltmp3:
0x8e: {  	[sflag:s0] =	ssyncadd.s32 $0xFFFFE000;
	(pc) =	sbr.rel @p0 .LBB2_8-.Ltmp3, $4  }
0x8f: {  	[spmem:s13] =	stream.indirect.scatter.add.f32 [tilespmem:s7], [sflag:$0x3], $0x10, s19, s3, $0xb8;
	[tilespmem:$0x16500] =	vst v63  }
0x90: {  	_ =	swait.ge [sflag:s0], $0x800  }
0x91: {  	[sflag:s0] =	ssyncset.done $0x0  }
0x92: {  	s18 =	sadd.s32 $0x180, s18;
	[sflag:s0] =	ssyncadd.s32 $0xFFFFF800  }
0x93: {  	[tilespmem:s5], [sflag:$0x2] =	stream.indirect.gather [hbm4b:s15+s3], $0x40, s18, s3, $0xb8;
	[tilespmem:$0x16500] =	vst v63  }
0x94: {  	_ =	swait.ge [sflag:s6], $0x2000  }
0x95: {  	[sflag:s6] =	ssyncset.done $0x0  }
0x96: {  	[sflag:s6] =	ssyncadd.s32 $0xFFFFE000  }
0x97: {  	[spmem:s11] =	stream.indirect.scatter.add.f32 [tilespmem:s4], [sflag:$0x3], $0x40, s9, s3, $0xb8;
	[tilespmem:$0x16500] =	vst v63  }
0x98: {  	_ =	swait.ge [sflag:s0], $0x2000  }
0x99: {  	[sflag:s0] =	ssyncset.done $0x0  }
0x9a: {  	[sflag:s0] =	ssyncadd.s32 $0xFFFFE000  }
0x9b: {  	[spmem:s13] =	stream.indirect.scatter.add.f32 [tilespmem:s7], [sflag:$0x3], $0x10, s9, s3, $0xb8;
	[tilespmem:$0x16500] =	vst v63  }
0x9c: {  	_ =	swait.ge [sflag:s0], $0x800  }
0x9d: {  	[sflag:s0] =	ssyncset.done $0x0  }
0x9e: {  	[sflag:s0] =	ssyncadd.s32 $0xFFFFF800  }
0x9f: {  	_ =	swait.ge [sflag:s8], $0x2000  }
0xa0: {  	[sflag:s8] =	ssyncset.done $0x0  }
0xa1: {  	[sflag:s8] =	ssyncadd.s32 $0xFFFFE000  }
0xa2: {  	[spmem:s11] =	stream.indirect.scatter.add.f32 [tilespmem:s5], [sflag:$0x3], $0x40, s12, s3, $0xb8;
	[tilespmem:$0x16500] =	vst v63  }
0xa3: {  	_ =	swait.ge [sflag:s0], $0x2000  }
0xa4: {  	[sflag:s0] =	ssyncset.done $0x0  }
0xa5: {  	[sflag:s0] =	ssyncadd.s32 $0xFFFFE000  }
0xa6: {  	[spmem:s13] =	stream.indirect.scatter.add.f32 [tilespmem:s7], [sflag:$0x3], $0x10, s12, s3, $0xb8;
	[tilespmem:$0x16500] =	vst v63  }
0xa7: {  	_ =	swait.ge [sflag:s0], $0x800  }
0xa8: {  	[sflag:s0] =	ssyncset.done $0x0  }
0xa9: {  	[sflag:s0] =	ssyncadd.s32 $0xFFFFF800  }
0xaa: {  	[bflag:$0x0] =	sbarrier.arrive $0xFFFF  }
0xab: {  	[tilespmem:s4], [sflag:$0x3] =	stream.linear.gather [spmem:s29], $0x2000, $0x38;
	[tilespmem:$0x16500] =	vst v63  }
0xac: {  	_ =	swait.ge [sflag:s0], $0x2000  }
0xad: {  	[sflag:s0] =	ssyncset.done $0x0  }
0xae: {  	s16 =	rddreg [dreg:$0x4];
	[sflag:s0] =	ssyncadd.s32 $0xFFFFE000  }
0xaf: {  	[hbm4b:s16+s1] =	stream.linear.scatter [tilespmem:s4], [sflag:$0x3], $0x2000, $0x38;
	[tilespmem:$0x16500] =	vst v63  }
0xb0: {  	_ =	swait.ge [sflag:s0], $0x2000  }
0xb1: {  	[sflag:s0] =	ssyncset.done $0x0  }
0xb2: {  	s19 =	rddreg [dreg:$0x11];
	[sflag:s0] =	ssyncadd.s32 $0xFFFFE000  }
0xb3: {  	[tilespmem:s7], [sflag:$0x3] =	stream.linear.gather [spmem:s19], $0x800, $0x38;
	[tilespmem:$0x16500] =	vst v63  }
0xb4: {  	_ =	swait.ge [sflag:s0], $0x800  }
0xb5: {  	[sflag:s0] =	ssyncset.done $0x0  }
0xb6: {  	s31 =	rddreg [dreg:$0x5];
	[sflag:s0] =	ssyncadd.s32 $0xFFFFF800  }
0xb7: {  	[hbm4b:s31+s1] =	stream.linear.scatter [tilespmem:s7], [sflag:$0x3], $0x800, $0x38;
	[tilespmem:$0x16500] =	vst v63  }
0xb8: {  	_ =	swait.ge [sflag:s0], $0x800  }
0xb9: {  	[sflag:s0] =	ssyncset.done $0x0  }
0xba: {  	[sflag:s0] =	ssyncadd.s32 $0xFFFFF800  }
0xbb: {  	[tilespmem:s4], [sflag:$0x3] =	stream.linear.gather [spmem:s20], $0x2000, $0x38;
	[tilespmem:$0x16500] =	vst v63  }
0xbc: {  	_ =	swait.ge [sflag:s0], $0x2000  }
0xbd: {  	[sflag:s0] =	ssyncset.done $0x0  }
0xbe: {  	s18 =	rddreg [dreg:$0x6];
	[sflag:s0] =	ssyncadd.s32 $0xFFFFE000  }
0xbf: {  	[hbm4b:s18+s1] =	stream.linear.scatter [tilespmem:s4], [sflag:$0x3], $0x2000, $0x38;
	[tilespmem:$0x16500] =	vst v63  }
0xc0: {  	_ =	swait.ge [sflag:s0], $0x2000  }
0xc1: {  	[sflag:s0] =	ssyncset.done $0x0  }
0xc2: {  	[sflag:s0] =	ssyncadd.s32 $0xFFFFE000  }
0xc3: {  	[tilespmem:s7], [sflag:$0x3] =	stream.linear.gather [spmem:s21], $0x800, $0x38;
	[tilespmem:$0x16500] =	vst v63  }
0xc4: {  	_ =	swait.ge [sflag:s0], $0x800  }
0xc5: {  	[sflag:s0] =	ssyncset.done $0x0  }
0xc6: {  	s19 =	rddreg [dreg:$0x7];
	[sflag:s0] =	ssyncadd.s32 $0xFFFFF800  }
0xc7: {  	[hbm4b:s19+s1] =	stream.linear.scatter [tilespmem:s7], [sflag:$0x3], $0x800, $0x38;
	[tilespmem:$0x16500] =	vst v63  }
0xc8: {  	_ =	swait.ge [sflag:s0], $0x800  }
0xc9: {  	[sflag:s0] =	ssyncset.done $0x0  }
0xca: {  	[sflag:s0] =	ssyncadd.s32 $0xFFFFF800  }
0xcb: {  	[tilespmem:s4], [sflag:$0x3] =	stream.linear.gather [spmem:s22], $0x2000, $0x38;
	[tilespmem:$0x16500] =	vst v63  }
0xcc: {  	_ =	swait.ge [sflag:s0], $0x2000  }
0xcd: {  	[sflag:s0] =	ssyncset.done $0x0  }
0xce: {  	s31 =	rddreg [dreg:$0x8];
	[sflag:s0] =	ssyncadd.s32 $0xFFFFE000  }
0xcf: {  	[hbm4b:s31+s1] =	stream.linear.scatter [tilespmem:s4], [sflag:$0x3], $0x2000, $0x38;
	[tilespmem:$0x16500] =	vst v63  }
0xd0: {  	_ =	swait.ge [sflag:s0], $0x2000  }
0xd1: {  	[sflag:s0] =	ssyncset.done $0x0  }
0xd2: {  	[sflag:s0] =	ssyncadd.s32 $0xFFFFE000  }
0xd3: {  	[tilespmem:s7], [sflag:$0x3] =	stream.linear.gather [spmem:s23], $0x800, $0x38;
	[tilespmem:$0x16500] =	vst v63  }
0xd4: {  	_ =	swait.ge [sflag:s0], $0x800  }
0xd5: {  	[sflag:s0] =	ssyncset.done $0x0  }
0xd6: {  	s18 =	rddreg [dreg:$0x9];
	[sflag:s0] =	ssyncadd.s32 $0xFFFFF800  }
0xd7: {  	[hbm4b:s18+s1] =	stream.linear.scatter [tilespmem:s7], [sflag:$0x3], $0x800, $0x38;
	[tilespmem:$0x16500] =	vst v63  }
0xd8: {  	_ =	swait.ge [sflag:s0], $0x800  }
0xd9: {  	[sflag:s0] =	ssyncset.done $0x0  }
0xda: {  	[sflag:s0] =	ssyncadd.s32 $0xFFFFF800  }
0xdb: {  	[tilespmem:s4], [sflag:$0x3] =	stream.linear.gather [spmem:s24], $0x2000, $0x38;
	[tilespmem:$0x16500] =	vst v63  }
0xdc: {  	_ =	swait.ge [sflag:s0], $0x2000  }
0xdd: {  	[sflag:s0] =	ssyncset.done $0x0  }
0xde: {  	s19 =	rddreg [dreg:$0xa];
	[sflag:s0] =	ssyncadd.s32 $0xFFFFE000  }
0xdf: {  	[hbm4b:s19+s1] =	stream.linear.scatter [tilespmem:s4], [sflag:$0x3], $0x2000, $0x38;
	[tilespmem:$0x16500] =	vst v63  }
0xe0: {  	_ =	swait.ge [sflag:s0], $0x2000  }
0xe1: {  	[sflag:s0] =	ssyncset.done $0x0  }
0xe2: {  	[sflag:s0] =	ssyncadd.s32 $0xFFFFE000  }
0xe3: {  	[tilespmem:s7], [sflag:$0x3] =	stream.linear.gather [spmem:s25], $0x800, $0x38;
	[tilespmem:$0x16500] =	vst v63  }
0xe4: {  	_ =	swait.ge [sflag:s0], $0x800  }
0xe5: {  	[sflag:s0] =	ssyncset.done $0x0  }
0xe6: {  	s31 =	rddreg [dreg:$0xc];
	[sflag:s0] =	ssyncadd.s32 $0xFFFFF800  }
0xe7: {  	[hbm4b:s31+s1] =	stream.linear.scatter [tilespmem:s7], [sflag:$0x3], $0x800, $0x38;
	[tilespmem:$0x16500] =	vst v63  }
0xe8: {  	_ =	swait.ge [sflag:s0], $0x800  }
0xe9: {  	[sflag:s0] =	ssyncset.done $0x0  }
0xea: {  	[sflag:s0] =	ssyncadd.s32 $0xFFFFF800  }
0xeb: {  	[tilespmem:s4], [sflag:$0x3] =	stream.linear.gather [spmem:s26], $0x2000, $0x38;
	[tilespmem:$0x16500] =	vst v63  }
0xec: {  	_ =	swait.ge [sflag:s0], $0x2000  }
0xed: {  	[sflag:s0] =	ssyncset.done $0x0  }
0xee: {  	s18 =	rddreg [dreg:$0xb];
	[sflag:s0] =	ssyncadd.s32 $0xFFFFE000  }
0xef: {  	[hbm4b:s18+s1] =	stream.linear.scatter [tilespmem:s4], [sflag:$0x3], $0x2000, $0x38;
	[tilespmem:$0x16500] =	vst v63  }
0xf0: {  	_ =	swait.ge [sflag:s0], $0x2000  }
0xf1: {  	[sflag:s0] =	ssyncset.done $0x0  }
0xf2: {  	[sflag:s0] =	ssyncadd.s32 $0xFFFFE000  }
0xf3: {  	[tilespmem:s7], [sflag:$0x3] =	stream.linear.gather [spmem:s28], $0x800, $0x38;
	[tilespmem:$0x16500] =	vst v63  }
0xf4: {  	_ =	swait.ge [sflag:s0], $0x800  }
0xf5: {  	[sflag:s0] =	ssyncset.done $0x0  }
0xf6: {  	s19 =	rddreg [dreg:$0xd];
	[sflag:s0] =	ssyncadd.s32 $0xFFFFF800  }
0xf7: {  	[hbm4b:s19+s1] =	stream.linear.scatter [tilespmem:s7], [sflag:$0x3], $0x800, $0x38;
	[tilespmem:$0x16500] =	vst v63  }
0xf8: {  	_ =	swait.ge [sflag:s0], $0x800  }
0xf9: {  	s14 =	sadd.s32 $0x1, s14;
	s31 =	rddreg [dreg:$0x10]  }
0xfa: {  	p0 =	sne.s32 s14, s31  }
.Ltmp4:
0xfb: {  	_ = 	snop;
	(pc) =	sbr.rel @p0 .LBB2_1-.Ltmp4, $3  }
0xfc: {  	_ =	sdelay $0x1  }
0xfd: {  	[sflag:s0] =	ssyncset.done $0x0  }
0xfe: {  	[sflag:s0] =	ssyncadd.s32 $0xFFFFF800  }
0xff: {  	_ =	sfence.sel $0x180000  }
0x100: {  	[bflag:$0x0] =	sbarrier.arrive $0xFFFF  }
0x101: {  	_ =	strace $0x90000047  }
0x102: {  	s0 =	stileid.u32;
	[bflag:$0x2] =	sbarrier.arrive $0xFFFF  }
0x103: {  	p0 =	sne.s32 s0, $0x0;
	s0 =	rddreg [dreg:$0x3]  }
0x104: {  	s0 =	sadd.s32 @!p0 $0x100000, s0  }
0x105: {  	[sflag:s0] =	ssyncadd.tile.s32 @!p0 $0x1;
	_ =	shalt  }
.Lfunc_end2:
_tile_overlayer_lowered:
.L_overlay_start_2:
0x106: {  	(tag) =	ssettag $0x2  }
0x107: {  	s0 =	rddreg [dreg:$0x0];
	s2 =	stileid.u32  }
0x108: {  	s1 =	rddreg [dreg:$0x1];
	p0 =	sne.s32 s2, $0x0  }
0x109: {  	s3 =	rddreg [dreg:$0x2];
	[bflag:$0x3] =	sbarrier.arrive $0xFFFF;
	s2 =	simm.s32 @!p0 $0x1C03  }
0x10a: {  	[timem:s3], [sflag:s2] =	dma.local @!p0 [hbm:s0], s1  }
0x10b: {  	s0 =	simm.s32 @!p0 $0x3  }
0x10c: {  	_ =	swait.ge @!p0 [sflag:s0], s1  }
0x10d: {  	s1 =	ssub.s32 @!p0 $0x0, s1;
	[sflag:s0] =	ssyncset.done @!p0 $0x0  }
0x10e: {  	[sflag:s0] =	ssyncadd.s32 @!p0 s1  }
0x10f: {  	[bflag:$0x3] =	sbarrier.arrive $0xFFFF  }
0x110: {  	_ =	shalt  }

</sc_bundles>
